<compile_context>
chip_gen: v7x
topology: tpu7x:2x2x1
jax: 0.10.2.dev20260603
libtpu: 0.0.44.dev20260713+nightly
codegen_flags: <defaults>
</compile_context>

<pallas_src>
import functools

import jax
import jax.numpy as jnp
from jax import lax
from jax.experimental import pallas as pl
from jax.experimental.pallas import tpu as pltpu
from jax.experimental.pallas import tpu_sc as plsc

from jax._src.pallas.mosaic import lowering as _tc_lowering



def _reshape_memref_reinterpret(ref, reshaper, ref_aval, ref_block_shape):
    ref_ty = _tc_lowering.ir.MemRefType(ref.type)
    dims = "x".join(str(s) for s in reshaper.shape)
    elt = str(ref_ty.element_type)
    target_ty = _tc_lowering.ir.Type.parse(
        f"memref<{dims}x{elt}, #tpu.tiled<(128),[1]>, {ref_ty.memory_space}>",
        ref_ty.context,
    )
    return _tc_lowering.tpu.reinterpret_cast(target_ty, ref), reshaper.shape


_tc_lowering._reshape_memref = _reshape_memref_reinterpret


_orig_slice_memref = _tc_lowering._slice_memref


def _slice_memref_keep_layout(ref, indexer, ref_aval, ref_block_shape):
    ref_ty = _tc_lowering.ir.MemRefType(ref.type)
    layout = str(ref_ty.layout)
    if ("hbm" in str(ref_ty.memory_space)
            and "tiled" in layout
            and len(ref_ty.shape) == 1
            and indexer.get_indexer_shape() == tuple(ref_ty.shape)):
        return ref, ref_block_shape
    return _orig_slice_memref(ref, indexer, ref_aval, ref_block_shape)


_tc_lowering._slice_memref = _slice_memref_keep_layout

B = 16384
NF = 26
ND = 13
VOCAB = 1000000
NW = 32
RPW = B // NW
NV = RPW // 16

CT = (VOCAB + 127) // 128

_mesh = plsc.VectorSubcoreMesh(core_axis_name="c", subcore_axis_name="s")


@functools.partial(
    pl.kernel,
    mesh=_mesh,
    out_type=jax.ShapeDtypeStruct((B,), jnp.float32),
    scratch_types=[
        pltpu.VMEM((NF * RPW,), jnp.int32),
        pltpu.VMEM((NF * RPW,), jnp.float32),
        pltpu.VMEM((ND * RPW,), jnp.float32),
        pltpu.VMEM((ND * 16,), jnp.float32),
        pltpu.VMEM((RPW,), jnp.float32),
        pltpu.SemaphoreType.DMA,
    ],
)
def _linear_sc(idx_hbm, xd_hbm, table_hbm, w_hbm, out_hbm,
               idx_v, gat_v, xd_v, w_v, out_v, sem):
    wid = lax.axis_index("s") * 2 + lax.axis_index("c")
    base = wid * RPW

    pltpu.sync_copy(idx_hbm.at[pl.ds(wid * (NF * RPW), NF * RPW)], idx_v)

    def to_phys(f, carry):
        k = ((f >> 3) * CT) * 1024 + (f & 7) * 128
        for v in range(NV):
            sl = pl.ds(f * RPW + v * 16, 16)
            ids = idx_v[sl]
            idx_v[sl] = (
                k
                + lax.shift_left(lax.shift_right_logical(ids, 7), 10)
                + lax.bitwise_and(ids, 127)
            )
        return carry

    lax.fori_loop(0, NF, to_phys, 0)

    table_flat = table_hbm.reshape(NF * VOCAB)

    NG = 4
    GSZ = NF * RPW // NG
    copies = []
    for g in range(NG):
        sl = pl.ds(g * GSZ, GSZ)
        copies.append(
            pltpu.async_copy(table_flat.at[idx_v.at[sl]], gat_v.at[sl], sem))

    pltpu.sync_copy(xd_hbm.at[pl.ds(wid * (ND * RPW), ND * RPW)], xd_v)
    pltpu.sync_copy(w_hbm, w_v)

    for c in copies:
        c.wait()

    w_bc = [w_v[pl.ds(d * 16, 16)] for d in range(ND)]

    def reduce(j, carry):
        acc = gat_v[pl.ds(j * 16, 16)]
        for f in range(1, NF):
            acc = acc + gat_v[pl.ds(f * RPW + j * 16, 16)]
        for d in range(ND):
            acc = acc + xd_v[pl.ds(d * RPW + j * 16, 16)] * w_bc[d]
        out_v[pl.ds(j * 16, 16)] = acc
        return carry

    lax.fori_loop(0, NV, reduce, 0)

    pltpu.sync_copy(out_v, out_hbm.at[pl.ds(base, RPW)])


def kernel(X, emb_tables, dense_weight):
    idx = (X[:, :NF].astype(jnp.int32)
           .reshape(NW, RPW, NF).transpose(0, 2, 1).reshape(-1))
    xd = X[:, NF:].reshape(NW, RPW, ND).transpose(0, 2, 1).reshape(-1)
    w = jnp.broadcast_to(dense_weight, (ND, 16)).reshape(-1)
    out = _linear_sc(idx, xd, emb_tables, w)
    return out[:, None]

# --- scband reference (transcript-rebuilt; emitter-appended) ---
"""Pipeline reference for scband-linear-30167850287701 (READ-ONLY COPY).

The authoritative reference and input builder live on the scoring server;
editing this copy changes nothing except your own understanding.
"""

import jax, jax.numpy as jnp
import numpy as np

B = 16384
N_SPARSE = 26
N_DENSE = 13
VOCAB = 1000000
INIT_STD = 1e-4


def setup_inputs(seed: int = 0) -> dict:
    key = jax.random.key(seed)
    k1, k2, k3, k4 = jax.random.split(key, 4)
    # DeepCTR-style flat input: first 26 columns are sparse ids (stored as floats),
    # last 13 columns are dense values.
    x_sparse = jax.random.randint(k1, (B, N_SPARSE), 0, VOCAB).astype(jnp.float32)
    x_dense = jax.random.uniform(k2, (B, N_DENSE), dtype=jnp.float32)
    X = jnp.concatenate([x_sparse, x_dense], axis=1)
    # 26 linear embedding tables of shape [VOCAB, 1], stacked as [N_SPARSE, VOCAB].
    emb_tables = jax.random.normal(k3, (N_SPARSE, VOCAB), dtype=jnp.float32) * INIT_STD
    # Dense linear weight: [sum(dense dims), 1] = [13, 1].
    dense_weight = jax.random.normal(k4, (N_DENSE, 1), dtype=jnp.float32) * INIT_STD
    return {"X": X, "emb_tables": emb_tables, "dense_weight": dense_weight}


def reference(X, emb_tables, dense_weight):
    # Sparse part: per-field embedding lookup (embedding_dim=1), concatenated and
    # summed over fields -> [B, 1], mirroring torch.cat(sparse_embedding_list, -1).sum(-1).
    idx = X[:, :N_SPARSE].astype(jnp.int32)  # [B, 26]
    # emb_tables: [26, VOCAB]; gather per-field: result [26, B]
    sparse_emb = jnp.take_along_axis(emb_tables, idx.T, axis=1)
    sparse_logit = jnp.sum(sparse_emb, axis=0)[:, None]  # [B, 1]
    # Dense part: concat dense values -> matmul with weight [13, 1].
    dense_logit = X[:, N_SPARSE:] @ dense_weight  # [B, 1]
    linear_logit = sparse_logit + dense_logit
    return linear_logit

if __name__ == "__main__":
    import jax
    _d = setup_inputs()
    print(jax.jit(kernel)(*tuple(_d.values())))

</pallas_src>

<mosaic_0001>
#map = affine_map<(d0, d1) -> (0)>
#map1 = affine_map<(d0, d1) -> (0, 0)>
module attributes {stable_mosaic.version = 14 : i64} {
  func.func @_linear_sc(%arg0: i32, %arg1: i32, %arg2: memref<425984xi32, #tpu.memory_space<hbm>>, %arg3: memref<212992xf32, #tpu.memory_space<hbm>>, %arg4: memref<26x1000000xf32, #tpu.memory_space<hbm>>, %arg5: memref<208xf32, #tpu.memory_space<hbm>>, %arg6: memref<16384xf32, #tpu.memory_space<hbm>>, %arg7: memref<13312xi32, #tpu.memory_space<vmem>>, %arg8: memref<13312xf32, #tpu.memory_space<vmem>>, %arg9: memref<6656xf32, #tpu.memory_space<vmem>>, %arg10: memref<208xf32, #tpu.memory_space<vmem>>, %arg11: memref<512xf32, #tpu.memory_space<vmem>>, %arg12: memref<!tpu.dma_semaphore, #tpu.memory_space<semaphore_mem>>) attributes {dimension_semantics = [#tpu.dimension_semantics<core_parallel>, #tpu.dimension_semantics<subcore_parallel>], iteration_bounds = array<i64: 2, 16>, scalar_prefetch = 0 : i64, scratch_operands = 6 : i64, tpu.core_type = #tpu.core_type<sc_vector_subcore>, window_params = [{transform_indices = #map}, {transform_indices = #map}, {transform_indices = #map1}, {transform_indices = #map}, {transform_indices = #map}]} {
    %mul3A = arith.constant 2 : i32
    %mul3A_0 = arith.muli %arg1, %mul3A : i32
    %add3A = arith.addi %mul3A_0, %arg0 : i32
    %mul3A_1 = arith.constant 512 : i32
    %mul3A_2 = arith.muli %add3A, %mul3A_1 : i32
    %mul3A_3 = arith.constant 13312 : i32
    %mul3A_4 = arith.muli %add3A, %mul3A_3 : i32
    "tpu.region"() ({
      %run_scoped3A = tpu.sem_alloc : memref<!tpu.dma_semaphore, #tpu.memory_space<semaphore_mem>>
      %dma_start3A_94 = tpu.memref_slice %arg2[%mul3A_4] : memref<425984xi32, #tpu.memory_space<hbm>> -> memref<13312xi32, #tpu.memory_space<hbm>>
      %dma_start3A_95 = tpu.memref_slice %arg2[%mul3A_4] : memref<425984xi32, #tpu.memory_space<hbm>> -> memref<13312xi32, #tpu.memory_space<hbm>>
      tpu.enqueue_dma source(%dma_start3A_95 : memref<13312xi32, #tpu.memory_space<hbm>>) target(%arg7 : memref<13312xi32, #tpu.memory_space<vmem>>) target_semaphore(%run_scoped3A : memref<!tpu.dma_semaphore, #tpu.memory_space<semaphore_mem>>)
      %dma_wait3A_96 = tpu.memref_slice %arg2[%mul3A_4] : memref<425984xi32, #tpu.memory_space<hbm>> -> memref<13312xi32, #tpu.memory_space<hbm>>
      %dma_wait3A_97 = tpu.memref_slice %arg2[%mul3A_4] : memref<425984xi32, #tpu.memory_space<hbm>> -> memref<13312xi32, #tpu.memory_space<hbm>>
      tpu.wait_dma2 semaphore(%run_scoped3A : memref<!tpu.dma_semaphore, #tpu.memory_space<semaphore_mem>>) src(%dma_wait3A_97 : memref<13312xi32, #tpu.memory_space<hbm>>) dst(%arg7 : memref<13312xi32, #tpu.memory_space<vmem>>)
      tpu.yield
    }) : () -> ()
    %scan3A = arith.constant 0 : i32
    %scan3A_5 = arith.constant 0 : i32
    %scan3A_6 = arith.constant 26 : i32
    %scan3A_7 = arith.addi %scan3A_5, %scan3A_6 : i32
    %scan3A_8 = arith.constant 1 : i32
    scf.for %scan3A_94 = %scan3A_5 to %scan3A_7 step %scan3A_8  : i32 {
      %shift_right_arithmetic3A = arith.constant 3 : i32
      %shift_right_arithmetic3A_95 = arith.shrsi %scan3A_94, %shift_right_arithmetic3A : i32
      %mul3A_96 = arith.constant 7813 : i32
      %mul3A_97 = arith.muli %shift_right_arithmetic3A_95, %mul3A_96 : i32
      %mul3A_98 = arith.constant 1024 : i32
      %mul3A_99 = arith.muli %mul3A_97, %mul3A_98 : i32
      %and3A = arith.constant 7 : i32
      %and3A_100 = arith.andi %scan3A_94, %and3A : i32
      %mul3A_101 = arith.constant 128 : i32
      %mul3A_102 = arith.muli %and3A_100, %mul3A_101 : i32
      %add3A_103 = arith.addi %mul3A_99, %mul3A_102 : i32
      %mul3A_104 = arith.constant 512 : i32
      %mul3A_105 = arith.muli %scan3A_94, %mul3A_104 : i32
      %add3A_106 = arith.constant 0 : i32
      %add3A_107 = arith.addi %mul3A_105, %add3A_106 : i32
      %get3A_108 = arith.index_cast %add3A_107 : i32 to index
      %get3A_109 = tpu.vector_load %arg7[%get3A_108] {strides = array<i32>} : memref<13312xi32, #tpu.memory_space<vmem>>, vector<16xi32>,
      %get3A_110 = vector.shape_cast %get3A_109 : vector<16xi32> to vector<16xi32>
      %shift_right_logical3A = arith.constant 7 : i32
      %shift_right_logical3A_111 = vector.broadcast %shift_right_logical3A : i32 to vector<16xi32>
      %shift_right_logical3A_112 = arith.shrui %get3A_110, %shift_right_logical3A_111 : vector<16xi32>
      %shift_left3A = arith.constant 10 : i32
      %shift_left3A_113 = vector.broadcast %shift_left3A : i32 to vector<16xi32>
      %shift_left3A_114 = arith.shli %shift_right_logical3A_112, %shift_left3A_113 : vector<16xi32>
      %add3A_115 = vector.broadcast %add3A_103 : i32 to vector<16xi32>
      %add3A_116 = arith.addi %add3A_115, %shift_left3A_114 : vector<16xi32>
      %and3A_117 = arith.constant 127 : i32
      %and3A_118 = vector.broadcast %and3A_117 : i32 to vector<16xi32>
      %and3A_119 = arith.andi %get3A_110, %and3A_118 : vector<16xi32>
      %add3A_120 = arith.addi %add3A_116, %and3A_119 : vector<16xi32>
      %swap3A = arith.index_cast %add3A_107 : i32 to index
      %swap3A_121 = tpu.vector_load %arg7[%swap3A] {strides = array<i32>} : memref<13312xi32, #tpu.memory_space<vmem>>, vector<16xi32>,
      %swap3A_122 = vector.shape_cast %swap3A_121 : vector<16xi32> to vector<16xi32>
      %swap3A_123 = vector.shape_cast %add3A_120 : vector<16xi32> to vector<16xi32>
      tpu.vector_store %arg7[%swap3A], %swap3A_123 {strides = array<i32>} : memref<13312xi32, #tpu.memory_space<vmem>>, vector<16xi32>,
      %mul3A_124 = arith.constant 512 : i32
      %mul3A_125 = arith.muli %scan3A_94, %mul3A_124 : i32
      %add3A_126 = arith.constant 16 : i32
      %add3A_127 = arith.addi %mul3A_125, %add3A_126 : i32
      %get3A_128 = arith.index_cast %add3A_127 : i32 to index
      %get3A_129 = tpu.vector_load %arg7[%get3A_128] {strides = array<i32>} : memref<13312xi32, #tpu.memory_space<vmem>>, vector<16xi32>,
      %get3A_130 = vector.shape_cast %get3A_129 : vector<16xi32> to vector<16xi32>
      %shift_right_logical3A_131 = arith.constant 7 : i32
      %shift_right_logical3A_132 = vector.broadcast %shift_right_logical3A_131 : i32 to vector<16xi32>
      %shift_right_logical3A_133 = arith.shrui %get3A_130, %shift_right_logical3A_132 : vector<16xi32>
      %shift_left3A_134 = arith.constant 10 : i32
      %shift_left3A_135 = vector.broadcast %shift_left3A_134 : i32 to vector<16xi32>
      %shift_left3A_136 = arith.shli %shift_right_logical3A_133, %shift_left3A_135 : vector<16xi32>
      %add3A_137 = vector.broadcast %add3A_103 : i32 to vector<16xi32>
      %add3A_138 = arith.addi %add3A_137, %shift_left3A_136 : vector<16xi32>
      %and3A_139 = arith.constant 127 : i32
      %and3A_140 = vector.broadcast %and3A_139 : i32 to vector<16xi32>
      %and3A_141 = arith.andi %get3A_130, %and3A_140 : vector<16xi32>
      %add3A_142 = arith.addi %add3A_138, %and3A_141 : vector<16xi32>
      %swap3A_143 = arith.index_cast %add3A_127 : i32 to index
      %swap3A_144 = tpu.vector_load %arg7[%swap3A_143] {strides = array<i32>} : memref<13312xi32, #tpu.memory_space<vmem>>, vector<16xi32>,
      %swap3A_145 = vector.shape_cast %swap3A_144 : vector<16xi32> to vector<16xi32>
      %swap3A_146 = vector.shape_cast %add3A_142 : vector<16xi32> to vector<16xi32>
      tpu.vector_store %arg7[%swap3A_143], %swap3A_146 {strides = array<i32>} : memref<13312xi32, #tpu.memory_space<vmem>>, vector<16xi32>,
      %mul3A_147 = arith.constant 512 : i32
      %mul3A_148 = arith.muli %scan3A_94, %mul3A_147 : i32
      %add3A_149 = arith.constant 32 : i32
      %add3A_150 = arith.addi %mul3A_148, %add3A_149 : i32
      %get3A_151 = arith.index_cast %add3A_150 : i32 to index
      %get3A_152 = tpu.vector_load %arg7[%get3A_151] {strides = array<i32>} : memref<13312xi32, #tpu.memory_space<vmem>>, vector<16xi32>,
      %get3A_153 = vector.shape_cast %get3A_152 : vector<16xi32> to vector<16xi32>
      %shift_right_logical3A_154 = arith.constant 7 : i32
      %shift_right_logical3A_155 = vector.broadcast %shift_right_logical3A_154 : i32 to vector<16xi32>
      %shift_right_logical3A_156 = arith.shrui %get3A_153, %shift_right_logical3A_155 : vector<16xi32>
      %shift_left3A_157 = arith.constant 10 : i32
      %shift_left3A_158 = vector.broadcast %shift_left3A_157 : i32 to vector<16xi32>
      %shift_left3A_159 = arith.shli %shift_right_logical3A_156, %shift_left3A_158 : vector<16xi32>
      %add3A_160 = vector.broadcast %add3A_103 : i32 to vector<16xi32>
      %add3A_161 = arith.addi %add3A_160, %shift_left3A_159 : vector<16xi32>
      %and3A_162 = arith.constant 127 : i32
      %and3A_163 = vector.broadcast %and3A_162 : i32 to vector<16xi32>
      %and3A_164 = arith.andi %get3A_153, %and3A_163 : vector<16xi32>
      %add3A_165 = arith.addi %add3A_161, %and3A_164 : vector<16xi32>
      %swap3A_166 = arith.index_cast %add3A_150 : i32 to index
      %swap3A_167 = tpu.vector_load %arg7[%swap3A_166] {strides = array<i32>} : memref<13312xi32, #tpu.memory_space<vmem>>, vector<16xi32>,
      %swap3A_168 = vector.shape_cast %swap3A_167 : vector<16xi32> to vector<16xi32>
      %swap3A_169 = vector.shape_cast %add3A_165 : vector<16xi32> to vector<16xi32>
      tpu.vector_store %arg7[%swap3A_166], %swap3A_169 {strides = array<i32>} : memref<13312xi32, #tpu.memory_space<vmem>>, vector<16xi32>,
      %mul3A_170 = arith.constant 512 : i32
      %mul3A_171 = arith.muli %scan3A_94, %mul3A_170 : i32
      %add3A_172 = arith.constant 48 : i32
      %add3A_173 = arith.addi %mul3A_171, %add3A_172 : i32
      %get3A_174 = arith.index_cast %add3A_173 : i32 to index
      %get3A_175 = tpu.vector_load %arg7[%get3A_174] {strides = array<i32>} : memref<13312xi32, #tpu.memory_space<vmem>>, vector<16xi32>,
      %get3A_176 = vector.shape_cast %get3A_175 : vector<16xi32> to vector<16xi32>
      %shift_right_logical3A_177 = arith.constant 7 : i32
      %shift_right_logical3A_178 = vector.broadcast %shift_right_logical3A_177 : i32 to vector<16xi32>
      %shift_right_logical3A_179 = arith.shrui %get3A_176, %shift_right_logical3A_178 : vector<16xi32>
      %shift_left3A_180 = arith.constant 10 : i32
      %shift_left3A_181 = vector.broadcast %shift_left3A_180 : i32 to vector<16xi32>
      %shift_left3A_182 = arith.shli %shift_right_logical3A_179, %shift_left3A_181 : vector<16xi32>
      %add3A_183 = vector.broadcast %add3A_103 : i32 to vector<16xi32>
      %add3A_184 = arith.addi %add3A_183, %shift_left3A_182 : vector<16xi32>
      %and3A_185 = arith.constant 127 : i32
      %and3A_186 = vector.broadcast %and3A_185 : i32 to vector<16xi32>
      %and3A_187 = arith.andi %get3A_176, %and3A_186 : vector<16xi32>
      %add3A_188 = arith.addi %add3A_184, %and3A_187 : vector<16xi32>
      %swap3A_189 = arith.index_cast %add3A_173 : i32 to index
      %swap3A_190 = tpu.vector_load %arg7[%swap3A_189] {strides = array<i32>} : memref<13312xi32, #tpu.memory_space<vmem>>, vector<16xi32>,
      %swap3A_191 = vector.shape_cast %swap3A_190 : vector<16xi32> to vector<16xi32>
      %swap3A_192 = vector.shape_cast %add3A_188 : vector<16xi32> to vector<16xi32>
      tpu.vector_store %arg7[%swap3A_189], %swap3A_192 {strides = array<i32>} : memref<13312xi32, #tpu.memory_space<vmem>>, vector<16xi32>,
      %mul3A_193 = arith.constant 512 : i32
      %mul3A_194 = arith.muli %scan3A_94, %mul3A_193 : i32
      %add3A_195 = arith.constant 64 : i32
      %add3A_196 = arith.addi %mul3A_194, %add3A_195 : i32
      %get3A_197 = arith.index_cast %add3A_196 : i32 to index
      %get3A_198 = tpu.vector_load %arg7[%get3A_197] {strides = array<i32>} : memref<13312xi32, #tpu.memory_space<vmem>>, vector<16xi32>,
      %get3A_199 = vector.shape_cast %get3A_198 : vector<16xi32> to vector<16xi32>
      %shift_right_logical3A_200 = arith.constant 7 : i32
      %shift_right_logical3A_201 = vector.broadcast %shift_right_logical3A_200 : i32 to vector<16xi32>
      %shift_right_logical3A_202 = arith.shrui %get3A_199, %shift_right_logical3A_201 : vector<16xi32>
      %shift_left3A_203 = arith.constant 10 : i32
      %shift_left3A_204 = vector.broadcast %shift_left3A_203 : i32 to vector<16xi32>
      %shift_left3A_205 = arith.shli %shift_right_logical3A_202, %shift_left3A_204 : vector<16xi32>
      %add3A_206 = vector.broadcast %add3A_103 : i32 to vector<16xi32>
      %add3A_207 = arith.addi %add3A_206, %shift_left3A_205 : vector<16xi32>
      %and3A_208 = arith.constant 127 : i32
      %and3A_209 = vector.broadcast %and3A_208 : i32 to vector<16xi32>
      %and3A_210 = arith.andi %get3A_199, %and3A_209 : vector<16xi32>
      %add3A_211 = arith.addi %add3A_207, %and3A_210 : vector<16xi32>
      %swap3A_212 = arith.index_cast %add3A_196 : i32 to index
      %swap3A_213 = tpu.vector_load %arg7[%swap3A_212] {strides = array<i32>} : memref<13312xi32, #tpu.memory_space<vmem>>, vector<16xi32>,
      %swap3A_214 = vector.shape_cast %swap3A_213 : vector<16xi32> to vector<16xi32>
      %swap3A_215 = vector.shape_cast %add3A_211 : vector<16xi32> to vector<16xi32>
      tpu.vector_store %arg7[%swap3A_212], %swap3A_215 {strides = array<i32>} : memref<13312xi32, #tpu.memory_space<vmem>>, vector<16xi32>,
      %mul3A_216 = arith.constant 512 : i32
      %mul3A_217 = arith.muli %scan3A_94, %mul3A_216 : i32
      %add3A_218 = arith.constant 80 : i32
      %add3A_219 = arith.addi %mul3A_217, %add3A_218 : i32
      %get3A_220 = arith.index_cast %add3A_219 : i32 to index
      %get3A_221 = tpu.vector_load %arg7[%get3A_220] {strides = array<i32>} : memref<13312xi32, #tpu.memory_space<vmem>>, vector<16xi32>,
      %get3A_222 = vector.shape_cast %get3A_221 : vector<16xi32> to vector<16xi32>
      %shift_right_logical3A_223 = arith.constant 7 : i32
      %shift_right_logical3A_224 = vector.broadcast %shift_right_logical3A_223 : i32 to vector<16xi32>
      %shift_right_logical3A_225 = arith.shrui %get3A_222, %shift_right_logical3A_224 : vector<16xi32>
      %shift_left3A_226 = arith.constant 10 : i32
      %shift_left3A_227 = vector.broadcast %shift_left3A_226 : i32 to vector<16xi32>
      %shift_left3A_228 = arith.shli %shift_right_logical3A_225, %shift_left3A_227 : vector<16xi32>
      %add3A_229 = vector.broadcast %add3A_103 : i32 to vector<16xi32>
      %add3A_230 = arith.addi %add3A_229, %shift_left3A_228 : vector<16xi32>
      %and3A_231 = arith.constant 127 : i32
      %and3A_232 = vector.broadcast %and3A_231 : i32 to vector<16xi32>
      %and3A_233 = arith.andi %get3A_222, %and3A_232 : vector<16xi32>
      %add3A_234 = arith.addi %add3A_230, %and3A_233 : vector<16xi32>
      %swap3A_235 = arith.index_cast %add3A_219 : i32 to index
      %swap3A_236 = tpu.vector_load %arg7[%swap3A_235] {strides = array<i32>} : memref<13312xi32, #tpu.memory_space<vmem>>, vector<16xi32>,
      %swap3A_237 = vector.shape_cast %swap3A_236 : vector<16xi32> to vector<16xi32>
      %swap3A_238 = vector.shape_cast %add3A_234 : vector<16xi32> to vector<16xi32>
      tpu.vector_store %arg7[%swap3A_235], %swap3A_238 {strides = array<i32>} : memref<13312xi32, #tpu.memory_space<vmem>>, vector<16xi32>,
      %mul3A_239 = arith.constant 512 : i32
      %mul3A_240 = arith.muli %scan3A_94, %mul3A_239 : i32
      %add3A_241 = arith.constant 96 : i32
      %add3A_242 = arith.addi %mul3A_240, %add3A_241 : i32
      %get3A_243 = arith.index_cast %add3A_242 : i32 to index
      %get3A_244 = tpu.vector_load %arg7[%get3A_243] {strides = array<i32>} : memref<13312xi32, #tpu.memory_space<vmem>>, vector<16xi32>,
      %get3A_245 = vector.shape_cast %get3A_244 : vector<16xi32> to vector<16xi32>
      %shift_right_logical3A_246 = arith.constant 7 : i32
      %shift_right_logical3A_247 = vector.broadcast %shift_right_logical3A_246 : i32 to vector<16xi32>
      %shift_right_logical3A_248 = arith.shrui %get3A_245, %shift_right_logical3A_247 : vector<16xi32>
      %shift_left3A_249 = arith.constant 10 : i32
      %shift_left3A_250 = vector.broadcast %shift_left3A_249 : i32 to vector<16xi32>
      %shift_left3A_251 = arith.shli %shift_right_logical3A_248, %shift_left3A_250 : vector<16xi32>
      %add3A_252 = vector.broadcast %add3A_103 : i32 to vector<16xi32>
      %add3A_253 = arith.addi %add3A_252, %shift_left3A_251 : vector<16xi32>
      %and3A_254 = arith.constant 127 : i32
      %and3A_255 = vector.broadcast %and3A_254 : i32 to vector<16xi32>
      %and3A_256 = arith.andi %get3A_245, %and3A_255 : vector<16xi32>
      %add3A_257 = arith.addi %add3A_253, %and3A_256 : vector<16xi32>
      %swap3A_258 = arith.index_cast %add3A_242 : i32 to index
      %swap3A_259 = tpu.vector_load %arg7[%swap3A_258] {strides = array<i32>} : memref<13312xi32, #tpu.memory_space<vmem>>, vector<16xi32>,
      %swap3A_260 = vector.shape_cast %swap3A_259 : vector<16xi32> to vector<16xi32>
      %swap3A_261 = vector.shape_cast %add3A_257 : vector<16xi32> to vector<16xi32>
      tpu.vector_store %arg7[%swap3A_258], %swap3A_261 {strides = array<i32>} : memref<13312xi32, #tpu.memory_space<vmem>>, vector<16xi32>,
      %mul3A_262 = arith.constant 512 : i32
      %mul3A_263 = arith.muli %scan3A_94, %mul3A_262 : i32
      %add3A_264 = arith.constant 112 : i32
      %add3A_265 = arith.addi %mul3A_263, %add3A_264 : i32
      %get3A_266 = arith.index_cast %add3A_265 : i32 to index
      %get3A_267 = tpu.vector_load %arg7[%get3A_266] {strides = array<i32>} : memref<13312xi32, #tpu.memory_space<vmem>>, vector<16xi32>,
      %get3A_268 = vector.shape_cast %get3A_267 : vector<16xi32> to vector<16xi32>
      %shift_right_logical3A_269 = arith.constant 7 : i32
      %shift_right_logical3A_270 = vector.broadcast %shift_right_logical3A_269 : i32 to vector<16xi32>
      %shift_right_logical3A_271 = arith.shrui %get3A_268, %shift_right_logical3A_270 : vector<16xi32>
      %shift_left3A_272 = arith.constant 10 : i32
      %shift_left3A_273 = vector.broadcast %shift_left3A_272 : i32 to vector<16xi32>
      %shift_left3A_274 = arith.shli %shift_right_logical3A_271, %shift_left3A_273 : vector<16xi32>
      %add3A_275 = vector.broadcast %add3A_103 : i32 to vector<16xi32>
      %add3A_276 = arith.addi %add3A_275, %shift_left3A_274 : vector<16xi32>
      %and3A_277 = arith.constant 127 : i32
      %and3A_278 = vector.broadcast %and3A_277 : i32 to vector<16xi32>
      %and3A_279 = arith.andi %get3A_268, %and3A_278 : vector<16xi32>
      %add3A_280 = arith.addi %add3A_276, %and3A_279 : vector<16xi32>
      %swap3A_281 = arith.index_cast %add3A_265 : i32 to index
      %swap3A_282 = tpu.vector_load %arg7[%swap3A_281] {strides = array<i32>} : memref<13312xi32, #tpu.memory_space<vmem>>, vector<16xi32>,
      %swap3A_283 = vector.shape_cast %swap3A_282 : vector<16xi32> to vector<16xi32>
      %swap3A_284 = vector.shape_cast %add3A_280 : vector<16xi32> to vector<16xi32>
      tpu.vector_store %arg7[%swap3A_281], %swap3A_284 {strides = array<i32>} : memref<13312xi32, #tpu.memory_space<vmem>>, vector<16xi32>,
      %mul3A_285 = arith.constant 512 : i32
      %mul3A_286 = arith.muli %scan3A_94, %mul3A_285 : i32
      %add3A_287 = arith.constant 128 : i32
      %add3A_288 = arith.addi %mul3A_286, %add3A_287 : i32
      %get3A_289 = arith.index_cast %add3A_288 : i32 to index
      %get3A_290 = tpu.vector_load %arg7[%get3A_289] {strides = array<i32>} : memref<13312xi32, #tpu.memory_space<vmem>>, vector<16xi32>,
      %get3A_291 = vector.shape_cast %get3A_290 : vector<16xi32> to vector<16xi32>
      %shift_right_logical3A_292 = arith.constant 7 : i32
      %shift_right_logical3A_293 = vector.broadcast %shift_right_logical3A_292 : i32 to vector<16xi32>
      %shift_right_logical3A_294 = arith.shrui %get3A_291, %shift_right_logical3A_293 : vector<16xi32>
      %shift_left3A_295 = arith.constant 10 : i32
      %shift_left3A_296 = vector.broadcast %shift_left3A_295 : i32 to vector<16xi32>
      %shift_left3A_297 = arith.shli %shift_right_logical3A_294, %shift_left3A_296 : vector<16xi32>
      %add3A_298 = vector.broadcast %add3A_103 : i32 to vector<16xi32>
      %add3A_299 = arith.addi %add3A_298, %shift_left3A_297 : vector<16xi32>
      %and3A_300 = arith.constant 127 : i32
      %and3A_301 = vector.broadcast %and3A_300 : i32 to vector<16xi32>
      %and3A_302 = arith.andi %get3A_291, %and3A_301 : vector<16xi32>
      %add3A_303 = arith.addi %add3A_299, %and3A_302 : vector<16xi32>
      %swap3A_304 = arith.index_cast %add3A_288 : i32 to index
      %swap3A_305 = tpu.vector_load %arg7[%swap3A_304] {strides = array<i32>} : memref<13312xi32, #tpu.memory_space<vmem>>, vector<16xi32>,
      %swap3A_306 = vector.shape_cast %swap3A_305 : vector<16xi32> to vector<16xi32>
      %swap3A_307 = vector.shape_cast %add3A_303 : vector<16xi32> to vector<16xi32>
      tpu.vector_store %arg7[%swap3A_304], %swap3A_307 {strides = array<i32>} : memref<13312xi32, #tpu.memory_space<vmem>>, vector<16xi32>,
      %mul3A_308 = arith.constant 512 : i32
      %mul3A_309 = arith.muli %scan3A_94, %mul3A_308 : i32
      %add3A_310 = arith.constant 144 : i32
      %add3A_311 = arith.addi %mul3A_309, %add3A_310 : i32
      %get3A_312 = arith.index_cast %add3A_311 : i32 to index
      %get3A_313 = tpu.vector_load %arg7[%get3A_312] {strides = array<i32>} : memref<13312xi32, #tpu.memory_space<vmem>>, vector<16xi32>,
      %get3A_314 = vector.shape_cast %get3A_313 : vector<16xi32> to vector<16xi32>
      %shift_right_logical3A_315 = arith.constant 7 : i32
      %shift_right_logical3A_316 = vector.broadcast %shift_right_logical3A_315 : i32 to vector<16xi32>
      %shift_right_logical3A_317 = arith.shrui %get3A_314, %shift_right_logical3A_316 : vector<16xi32>
      %shift_left3A_318 = arith.constant 10 : i32
      %shift_left3A_319 = vector.broadcast %shift_left3A_318 : i32 to vector<16xi32>
      %shift_left3A_320 = arith.shli %shift_right_logical3A_317, %shift_left3A_319 : vector<16xi32>
      %add3A_321 = vector.broadcast %add3A_103 : i32 to vector<16xi32>
      %add3A_322 = arith.addi %add3A_321, %shift_left3A_320 : vector<16xi32>
      %and3A_323 = arith.constant 127 : i32
      %and3A_324 = vector.broadcast %and3A_323 : i32 to vector<16xi32>
      %and3A_325 = arith.andi %get3A_314, %and3A_324 : vector<16xi32>
      %add3A_326 = arith.addi %add3A_322, %and3A_325 : vector<16xi32>
      %swap3A_327 = arith.index_cast %add3A_311 : i32 to index
      %swap3A_328 = tpu.vector_load %arg7[%swap3A_327] {strides = array<i32>} : memref<13312xi32, #tpu.memory_space<vmem>>, vector<16xi32>,
      %swap3A_329 = vector.shape_cast %swap3A_328 : vector<16xi32> to vector<16xi32>
      %swap3A_330 = vector.shape_cast %add3A_326 : vector<16xi32> to vector<16xi32>
      tpu.vector_store %arg7[%swap3A_327], %swap3A_330 {strides = array<i32>} : memref<13312xi32, #tpu.memory_space<vmem>>, vector<16xi32>,
      %mul3A_331 = arith.constant 512 : i32
      %mul3A_332 = arith.muli %scan3A_94, %mul3A_331 : i32
      %add3A_333 = arith.constant 160 : i32
      %add3A_334 = arith.addi %mul3A_332, %add3A_333 : i32
      %get3A_335 = arith.index_cast %add3A_334 : i32 to index
      %get3A_336 = tpu.vector_load %arg7[%get3A_335] {strides = array<i32>} : memref<13312xi32, #tpu.memory_space<vmem>>, vector<16xi32>,
      %get3A_337 = vector.shape_cast %get3A_336 : vector<16xi32> to vector<16xi32>
      %shift_right_logical3A_338 = arith.constant 7 : i32
      %shift_right_logical3A_339 = vector.broadcast %shift_right_logical3A_338 : i32 to vector<16xi32>
      %shift_right_logical3A_340 = arith.shrui %get3A_337, %shift_right_logical3A_339 : vector<16xi32>
      %shift_left3A_341 = arith.constant 10 : i32
      %shift_left3A_342 = vector.broadcast %shift_left3A_341 : i32 to vector<16xi32>
      %shift_left3A_343 = arith.shli %shift_right_logical3A_340, %shift_left3A_342 : vector<16xi32>
      %add3A_344 = vector.broadcast %add3A_103 : i32 to vector<16xi32>
      %add3A_345 = arith.addi %add3A_344, %shift_left3A_343 : vector<16xi32>
      %and3A_346 = arith.constant 127 : i32
      %and3A_347 = vector.broadcast %and3A_346 : i32 to vector<16xi32>
      %and3A_348 = arith.andi %get3A_337, %and3A_347 : vector<16xi32>
      %add3A_349 = arith.addi %add3A_345, %and3A_348 : vector<16xi32>
      %swap3A_350 = arith.index_cast %add3A_334 : i32 to index
      %swap3A_351 = tpu.vector_load %arg7[%swap3A_350] {strides = array<i32>} : memref<13312xi32, #tpu.memory_space<vmem>>, vector<16xi32>,
      %swap3A_352 = vector.shape_cast %swap3A_351 : vector<16xi32> to vector<16xi32>
      %swap3A_353 = vector.shape_cast %add3A_349 : vector<16xi32> to vector<16xi32>
      tpu.vector_store %arg7[%swap3A_350], %swap3A_353 {strides = array<i32>} : memref<13312xi32, #tpu.memory_space<vmem>>, vector<16xi32>,
      %mul3A_354 = arith.constant 512 : i32
      %mul3A_355 = arith.muli %scan3A_94, %mul3A_354 : i32
      %add3A_356 = arith.constant 176 : i32
      %add3A_357 = arith.addi %mul3A_355, %add3A_356 : i32
      %get3A_358 = arith.index_cast %add3A_357 : i32 to index
      %get3A_359 = tpu.vector_load %arg7[%get3A_358] {strides = array<i32>} : memref<13312xi32, #tpu.memory_space<vmem>>, vector<16xi32>,
      %get3A_360 = vector.shape_cast %get3A_359 : vector<16xi32> to vector<16xi32>
      %shift_right_logical3A_361 = arith.constant 7 : i32
      %shift_right_logical3A_362 = vector.broadcast %shift_right_logical3A_361 : i32 to vector<16xi32>
      %shift_right_logical3A_363 = arith.shrui %get3A_360, %shift_right_logical3A_362 : vector<16xi32>
      %shift_left3A_364 = arith.constant 10 : i32
      %shift_left3A_365 = vector.broadcast %shift_left3A_364 : i32 to vector<16xi32>
      %shift_left3A_366 = arith.shli %shift_right_logical3A_363, %shift_left3A_365 : vector<16xi32>
      %add3A_367 = vector.broadcast %add3A_103 : i32 to vector<16xi32>
      %add3A_368 = arith.addi %add3A_367, %shift_left3A_366 : vector<16xi32>
      %and3A_369 = arith.constant 127 : i32
      %and3A_370 = vector.broadcast %and3A_369 : i32 to vector<16xi32>
      %and3A_371 = arith.andi %get3A_360, %and3A_370 : vector<16xi32>
      %add3A_372 = arith.addi %add3A_368, %and3A_371 : vector<16xi32>
      %swap3A_373 = arith.index_cast %add3A_357 : i32 to index
      %swap3A_374 = tpu.vector_load %arg7[%swap3A_373] {strides = array<i32>} : memref<13312xi32, #tpu.memory_space<vmem>>, vector<16xi32>,
      %swap3A_375 = vector.shape_cast %swap3A_374 : vector<16xi32> to vector<16xi32>
      %swap3A_376 = vector.shape_cast %add3A_372 : vector<16xi32> to vector<16xi32>
      tpu.vector_store %arg7[%swap3A_373], %swap3A_376 {strides = array<i32>} : memref<13312xi32, #tpu.memory_space<vmem>>, vector<16xi32>,
      %mul3A_377 = arith.constant 512 : i32
      %mul3A_378 = arith.muli %scan3A_94, %mul3A_377 : i32
      %add3A_379 = arith.constant 192 : i32
      %add3A_380 = arith.addi %mul3A_378, %add3A_379 : i32
      %get3A_381 = arith.index_cast %add3A_380 : i32 to index
      %get3A_382 = tpu.vector_load %arg7[%get3A_381] {strides = array<i32>} : memref<13312xi32, #tpu.memory_space<vmem>>, vector<16xi32>,
      %get3A_383 = vector.shape_cast %get3A_382 : vector<16xi32> to vector<16xi32>
      %shift_right_logical3A_384 = arith.constant 7 : i32
      %shift_right_logical3A_385 = vector.broadcast %shift_right_logical3A_384 : i32 to vector<16xi32>
      %shift_right_logical3A_386 = arith.shrui %get3A_383, %shift_right_logical3A_385 : vector<16xi32>
      %shift_left3A_387 = arith.constant 10 : i32
      %shift_left3A_388 = vector.broadcast %shift_left3A_387 : i32 to vector<16xi32>
      %shift_left3A_389 = arith.shli %shift_right_logical3A_386, %shift_left3A_388 : vector<16xi32>
      %add3A_390 = vector.broadcast %add3A_103 : i32 to vector<16xi32>
      %add3A_391 = arith.addi %add3A_390, %shift_left3A_389 : vector<16xi32>
      %and3A_392 = arith.constant 127 : i32
      %and3A_393 = vector.broadcast %and3A_392 : i32 to vector<16xi32>
      %and3A_394 = arith.andi %get3A_383, %and3A_393 : vector<16xi32>
      %add3A_395 = arith.addi %add3A_391, %and3A_394 : vector<16xi32>
      %swap3A_396 = arith.index_cast %add3A_380 : i32 to index
      %swap3A_397 = tpu.vector_load %arg7[%swap3A_396] {strides = array<i32>} : memref<13312xi32, #tpu.memory_space<vmem>>, vector<16xi32>,
      %swap3A_398 = vector.shape_cast %swap3A_397 : vector<16xi32> to vector<16xi32>
      %swap3A_399 = vector.shape_cast %add3A_395 : vector<16xi32> to vector<16xi32>
      tpu.vector_store %arg7[%swap3A_396], %swap3A_399 {strides = array<i32>} : memref<13312xi32, #tpu.memory_space<vmem>>, vector<16xi32>,
      %mul3A_400 = arith.constant 512 : i32
      %mul3A_401 = arith.muli %scan3A_94, %mul3A_400 : i32
      %add3A_402 = arith.constant 208 : i32
      %add3A_403 = arith.addi %mul3A_401, %add3A_402 : i32
      %get3A_404 = arith.index_cast %add3A_403 : i32 to index
      %get3A_405 = tpu.vector_load %arg7[%get3A_404] {strides = array<i32>} : memref<13312xi32, #tpu.memory_space<vmem>>, vector<16xi32>,
      %get3A_406 = vector.shape_cast %get3A_405 : vector<16xi32> to vector<16xi32>
      %shift_right_logical3A_407 = arith.constant 7 : i32
      %shift_right_logical3A_408 = vector.broadcast %shift_right_logical3A_407 : i32 to vector<16xi32>
      %shift_right_logical3A_409 = arith.shrui %get3A_406, %shift_right_logical3A_408 : vector<16xi32>
      %shift_left3A_410 = arith.constant 10 : i32
      %shift_left3A_411 = vector.broadcast %shift_left3A_410 : i32 to vector<16xi32>
      %shift_left3A_412 = arith.shli %shift_right_logical3A_409, %shift_left3A_411 : vector<16xi32>
      %add3A_413 = vector.broadcast %add3A_103 : i32 to vector<16xi32>
      %add3A_414 = arith.addi %add3A_413, %shift_left3A_412 : vector<16xi32>
      %and3A_415 = arith.constant 127 : i32
      %and3A_416 = vector.broadcast %and3A_415 : i32 to vector<16xi32>
      %and3A_417 = arith.andi %get3A_406, %and3A_416 : vector<16xi32>
      %add3A_418 = arith.addi %add3A_414, %and3A_417 : vector<16xi32>
      %swap3A_419 = arith.index_cast %add3A_403 : i32 to index
      %swap3A_420 = tpu.vector_load %arg7[%swap3A_419] {strides = array<i32>} : memref<13312xi32, #tpu.memory_space<vmem>>, vector<16xi32>,
      %swap3A_421 = vector.shape_cast %swap3A_420 : vector<16xi32> to vector<16xi32>
      %swap3A_422 = vector.shape_cast %add3A_418 : vector<16xi32> to vector<16xi32>
      tpu.vector_store %arg7[%swap3A_419], %swap3A_422 {strides = array<i32>} : memref<13312xi32, #tpu.memory_space<vmem>>, vector<16xi32>,
      %mul3A_423 = arith.constant 512 : i32
      %mul3A_424 = arith.muli %scan3A_94, %mul3A_423 : i32
      %add3A_425 = arith.constant 224 : i32
      %add3A_426 = arith.addi %mul3A_424, %add3A_425 : i32
      %get3A_427 = arith.index_cast %add3A_426 : i32 to index
      %get3A_428 = tpu.vector_load %arg7[%get3A_427] {strides = array<i32>} : memref<13312xi32, #tpu.memory_space<vmem>>, vector<16xi32>,
      %get3A_429 = vector.shape_cast %get3A_428 : vector<16xi32> to vector<16xi32>
      %shift_right_logical3A_430 = arith.constant 7 : i32
      %shift_right_logical3A_431 = vector.broadcast %shift_right_logical3A_430 : i32 to vector<16xi32>
      %shift_right_logical3A_432 = arith.shrui %get3A_429, %shift_right_logical3A_431 : vector<16xi32>
      %shift_left3A_433 = arith.constant 10 : i32
      %shift_left3A_434 = vector.broadcast %shift_left3A_433 : i32 to vector<16xi32>
      %shift_left3A_435 = arith.shli %shift_right_logical3A_432, %shift_left3A_434 : vector<16xi32>
      %add3A_436 = vector.broadcast %add3A_103 : i32 to vector<16xi32>
      %add3A_437 = arith.addi %add3A_436, %shift_left3A_435 : vector<16xi32>
      %and3A_438 = arith.constant 127 : i32
      %and3A_439 = vector.broadcast %and3A_438 : i32 to vector<16xi32>
      %and3A_440 = arith.andi %get3A_429, %and3A_439 : vector<16xi32>
      %add3A_441 = arith.addi %add3A_437, %and3A_440 : vector<16xi32>
      %swap3A_442 = arith.index_cast %add3A_426 : i32 to index
      %swap3A_443 = tpu.vector_load %arg7[%swap3A_442] {strides = array<i32>} : memref<13312xi32, #tpu.memory_space<vmem>>, vector<16xi32>,
      %swap3A_444 = vector.shape_cast %swap3A_443 : vector<16xi32> to vector<16xi32>
      %swap3A_445 = vector.shape_cast %add3A_441 : vector<16xi32> to vector<16xi32>
      tpu.vector_store %arg7[%swap3A_442], %swap3A_445 {strides = array<i32>} : memref<13312xi32, #tpu.memory_space<vmem>>, vector<16xi32>,
      %mul3A_446 = arith.constant 512 : i32
      %mul3A_447 = arith.muli %scan3A_94, %mul3A_446 : i32
      %add3A_448 = arith.constant 240 : i32
      %add3A_449 = arith.addi %mul3A_447, %add3A_448 : i32
      %get3A_450 = arith.index_cast %add3A_449 : i32 to index
      %get3A_451 = tpu.vector_load %arg7[%get3A_450] {strides = array<i32>} : memref<13312xi32, #tpu.memory_space<vmem>>, vector<16xi32>,
      %get3A_452 = vector.shape_cast %get3A_451 : vector<16xi32> to vector<16xi32>
      %shift_right_logical3A_453 = arith.constant 7 : i32
      %shift_right_logical3A_454 = vector.broadcast %shift_right_logical3A_453 : i32 to vector<16xi32>
      %shift_right_logical3A_455 = arith.shrui %get3A_452, %shift_right_logical3A_454 : vector<16xi32>
      %shift_left3A_456 = arith.constant 10 : i32
      %shift_left3A_457 = vector.broadcast %shift_left3A_456 : i32 to vector<16xi32>
      %shift_left3A_458 = arith.shli %shift_right_logical3A_455, %shift_left3A_457 : vector<16xi32>
      %add3A_459 = vector.broadcast %add3A_103 : i32 to vector<16xi32>
      %add3A_460 = arith.addi %add3A_459, %shift_left3A_458 : vector<16xi32>
      %and3A_461 = arith.constant 127 : i32
      %and3A_462 = vector.broadcast %and3A_461 : i32 to vector<16xi32>
      %and3A_463 = arith.andi %get3A_452, %and3A_462 : vector<16xi32>
      %add3A_464 = arith.addi %add3A_460, %and3A_463 : vector<16xi32>
      %swap3A_465 = arith.index_cast %add3A_449 : i32 to index
      %swap3A_466 = tpu.vector_load %arg7[%swap3A_465] {strides = array<i32>} : memref<13312xi32, #tpu.memory_space<vmem>>, vector<16xi32>,
      %swap3A_467 = vector.shape_cast %swap3A_466 : vector<16xi32> to vector<16xi32>
      %swap3A_468 = vector.shape_cast %add3A_464 : vector<16xi32> to vector<16xi32>
      tpu.vector_store %arg7[%swap3A_465], %swap3A_468 {strides = array<i32>} : memref<13312xi32, #tpu.memory_space<vmem>>, vector<16xi32>,
      %mul3A_469 = arith.constant 512 : i32
      %mul3A_470 = arith.muli %scan3A_94, %mul3A_469 : i32
      %add3A_471 = arith.constant 256 : i32
      %add3A_472 = arith.addi %mul3A_470, %add3A_471 : i32
      %get3A_473 = arith.index_cast %add3A_472 : i32 to index
      %get3A_474 = tpu.vector_load %arg7[%get3A_473] {strides = array<i32>} : memref<13312xi32, #tpu.memory_space<vmem>>, vector<16xi32>,
      %get3A_475 = vector.shape_cast %get3A_474 : vector<16xi32> to vector<16xi32>
      %shift_right_logical3A_476 = arith.constant 7 : i32
      %shift_right_logical3A_477 = vector.broadcast %shift_right_logical3A_476 : i32 to vector<16xi32>
      %shift_right_logical3A_478 = arith.shrui %get3A_475, %shift_right_logical3A_477 : vector<16xi32>
      %shift_left3A_479 = arith.constant 10 : i32
      %shift_left3A_480 = vector.broadcast %shift_left3A_479 : i32 to vector<16xi32>
      %shift_left3A_481 = arith.shli %shift_right_logical3A_478, %shift_left3A_480 : vector<16xi32>
      %add3A_482 = vector.broadcast %add3A_103 : i32 to vector<16xi32>
      %add3A_483 = arith.addi %add3A_482, %shift_left3A_481 : vector<16xi32>
      %and3A_484 = arith.constant 127 : i32
      %and3A_485 = vector.broadcast %and3A_484 : i32 to vector<16xi32>
      %and3A_486 = arith.andi %get3A_475, %and3A_485 : vector<16xi32>
      %add3A_487 = arith.addi %add3A_483, %and3A_486 : vector<16xi32>
      %swap3A_488 = arith.index_cast %add3A_472 : i32 to index
      %swap3A_489 = tpu.vector_load %arg7[%swap3A_488] {strides = array<i32>} : memref<13312xi32, #tpu.memory_space<vmem>>, vector<16xi32>,
      %swap3A_490 = vector.shape_cast %swap3A_489 : vector<16xi32> to vector<16xi32>
      %swap3A_491 = vector.shape_cast %add3A_487 : vector<16xi32> to vector<16xi32>
      tpu.vector_store %arg7[%swap3A_488], %swap3A_491 {strides = array<i32>} : memref<13312xi32, #tpu.memory_space<vmem>>, vector<16xi32>,
      %mul3A_492 = arith.constant 512 : i32
      %mul3A_493 = arith.muli %scan3A_94, %mul3A_492 : i32
      %add3A_494 = arith.constant 272 : i32
      %add3A_495 = arith.addi %mul3A_493, %add3A_494 : i32
      %get3A_496 = arith.index_cast %add3A_495 : i32 to index
      %get3A_497 = tpu.vector_load %arg7[%get3A_496] {strides = array<i32>} : memref<13312xi32, #tpu.memory_space<vmem>>, vector<16xi32>,
      %get3A_498 = vector.shape_cast %get3A_497 : vector<16xi32> to vector<16xi32>
      %shift_right_logical3A_499 = arith.constant 7 : i32
      %shift_right_logical3A_500 = vector.broadcast %shift_right_logical3A_499 : i32 to vector<16xi32>
      %shift_right_logical3A_501 = arith.shrui %get3A_498, %shift_right_logical3A_500 : vector<16xi32>
      %shift_left3A_502 = arith.constant 10 : i32
      %shift_left3A_503 = vector.broadcast %shift_left3A_502 : i32 to vector<16xi32>
      %shift_left3A_504 = arith.shli %shift_right_logical3A_501, %shift_left3A_503 : vector<16xi32>
      %add3A_505 = vector.broadcast %add3A_103 : i32 to vector<16xi32>
      %add3A_506 = arith.addi %add3A_505, %shift_left3A_504 : vector<16xi32>
      %and3A_507 = arith.constant 127 : i32
      %and3A_508 = vector.broadcast %and3A_507 : i32 to vector<16xi32>
      %and3A_509 = arith.andi %get3A_498, %and3A_508 : vector<16xi32>
      %add3A_510 = arith.addi %add3A_506, %and3A_509 : vector<16xi32>
      %swap3A_511 = arith.index_cast %add3A_495 : i32 to index
      %swap3A_512 = tpu.vector_load %arg7[%swap3A_511] {strides = array<i32>} : memref<13312xi32, #tpu.memory_space<vmem>>, vector<16xi32>,
      %swap3A_513 = vector.shape_cast %swap3A_512 : vector<16xi32> to vector<16xi32>
      %swap3A_514 = vector.shape_cast %add3A_510 : vector<16xi32> to vector<16xi32>
      tpu.vector_store %arg7[%swap3A_511], %swap3A_514 {strides = array<i32>} : memref<13312xi32, #tpu.memory_space<vmem>>, vector<16xi32>,
      %mul3A_515 = arith.constant 512 : i32
      %mul3A_516 = arith.muli %scan3A_94, %mul3A_515 : i32
      %add3A_517 = arith.constant 288 : i32
      %add3A_518 = arith.addi %mul3A_516, %add3A_517 : i32
      %get3A_519 = arith.index_cast %add3A_518 : i32 to index
      %get3A_520 = tpu.vector_load %arg7[%get3A_519] {strides = array<i32>} : memref<13312xi32, #tpu.memory_space<vmem>>, vector<16xi32>,
      %get3A_521 = vector.shape_cast %get3A_520 : vector<16xi32> to vector<16xi32>
      %shift_right_logical3A_522 = arith.constant 7 : i32
      %shift_right_logical3A_523 = vector.broadcast %shift_right_logical3A_522 : i32 to vector<16xi32>
      %shift_right_logical3A_524 = arith.shrui %get3A_521, %shift_right_logical3A_523 : vector<16xi32>
      %shift_left3A_525 = arith.constant 10 : i32
      %shift_left3A_526 = vector.broadcast %shift_left3A_525 : i32 to vector<16xi32>
      %shift_left3A_527 = arith.shli %shift_right_logical3A_524, %shift_left3A_526 : vector<16xi32>
      %add3A_528 = vector.broadcast %add3A_103 : i32 to vector<16xi32>
      %add3A_529 = arith.addi %add3A_528, %shift_left3A_527 : vector<16xi32>
      %and3A_530 = arith.constant 127 : i32
      %and3A_531 = vector.broadcast %and3A_530 : i32 to vector<16xi32>
      %and3A_532 = arith.andi %get3A_521, %and3A_531 : vector<16xi32>
      %add3A_533 = arith.addi %add3A_529, %and3A_532 : vector<16xi32>
      %swap3A_534 = arith.index_cast %add3A_518 : i32 to index
      %swap3A_535 = tpu.vector_load %arg7[%swap3A_534] {strides = array<i32>} : memref<13312xi32, #tpu.memory_space<vmem>>, vector<16xi32>,
      %swap3A_536 = vector.shape_cast %swap3A_535 : vector<16xi32> to vector<16xi32>
      %swap3A_537 = vector.shape_cast %add3A_533 : vector<16xi32> to vector<16xi32>
      tpu.vector_store %arg7[%swap3A_534], %swap3A_537 {strides = array<i32>} : memref<13312xi32, #tpu.memory_space<vmem>>, vector<16xi32>,
      %mul3A_538 = arith.constant 512 : i32
      %mul3A_539 = arith.muli %scan3A_94, %mul3A_538 : i32
      %add3A_540 = arith.constant 304 : i32
      %add3A_541 = arith.addi %mul3A_539, %add3A_540 : i32
      %get3A_542 = arith.index_cast %add3A_541 : i32 to index
      %get3A_543 = tpu.vector_load %arg7[%get3A_542] {strides = array<i32>} : memref<13312xi32, #tpu.memory_space<vmem>>, vector<16xi32>,
      %get3A_544 = vector.shape_cast %get3A_543 : vector<16xi32> to vector<16xi32>
      %shift_right_logical3A_545 = arith.constant 7 : i32
      %shift_right_logical3A_546 = vector.broadcast %shift_right_logical3A_545 : i32 to vector<16xi32>
      %shift_right_logical3A_547 = arith.shrui %get3A_544, %shift_right_logical3A_546 : vector<16xi32>
      %shift_left3A_548 = arith.constant 10 : i32
      %shift_left3A_549 = vector.broadcast %shift_left3A_548 : i32 to vector<16xi32>
      %shift_left3A_550 = arith.shli %shift_right_logical3A_547, %shift_left3A_549 : vector<16xi32>
      %add3A_551 = vector.broadcast %add3A_103 : i32 to vector<16xi32>
      %add3A_552 = arith.addi %add3A_551, %shift_left3A_550 : vector<16xi32>
      %and3A_553 = arith.constant 127 : i32
      %and3A_554 = vector.broadcast %and3A_553 : i32 to vector<16xi32>
      %and3A_555 = arith.andi %get3A_544, %and3A_554 : vector<16xi32>
      %add3A_556 = arith.addi %add3A_552, %and3A_555 : vector<16xi32>
      %swap3A_557 = arith.index_cast %add3A_541 : i32 to index
      %swap3A_558 = tpu.vector_load %arg7[%swap3A_557] {strides = array<i32>} : memref<13312xi32, #tpu.memory_space<vmem>>, vector<16xi32>,
      %swap3A_559 = vector.shape_cast %swap3A_558 : vector<16xi32> to vector<16xi32>
      %swap3A_560 = vector.shape_cast %add3A_556 : vector<16xi32> to vector<16xi32>
      tpu.vector_store %arg7[%swap3A_557], %swap3A_560 {strides = array<i32>} : memref<13312xi32, #tpu.memory_space<vmem>>, vector<16xi32>,
      %mul3A_561 = arith.constant 512 : i32
      %mul3A_562 = arith.muli %scan3A_94, %mul3A_561 : i32
      %add3A_563 = arith.constant 320 : i32
      %add3A_564 = arith.addi %mul3A_562, %add3A_563 : i32
      %get3A_565 = arith.index_cast %add3A_564 : i32 to index
      %get3A_566 = tpu.vector_load %arg7[%get3A_565] {strides = array<i32>} : memref<13312xi32, #tpu.memory_space<vmem>>, vector<16xi32>,
      %get3A_567 = vector.shape_cast %get3A_566 : vector<16xi32> to vector<16xi32>
      %shift_right_logical3A_568 = arith.constant 7 : i32
      %shift_right_logical3A_569 = vector.broadcast %shift_right_logical3A_568 : i32 to vector<16xi32>
      %shift_right_logical3A_570 = arith.shrui %get3A_567, %shift_right_logical3A_569 : vector<16xi32>
      %shift_left3A_571 = arith.constant 10 : i32
      %shift_left3A_572 = vector.broadcast %shift_left3A_571 : i32 to vector<16xi32>
      %shift_left3A_573 = arith.shli %shift_right_logical3A_570, %shift_left3A_572 : vector<16xi32>
      %add3A_574 = vector.broadcast %add3A_103 : i32 to vector<16xi32>
      %add3A_575 = arith.addi %add3A_574, %shift_left3A_573 : vector<16xi32>
      %and3A_576 = arith.constant 127 : i32
      %and3A_577 = vector.broadcast %and3A_576 : i32 to vector<16xi32>
      %and3A_578 = arith.andi %get3A_567, %and3A_577 : vector<16xi32>
      %add3A_579 = arith.addi %add3A_575, %and3A_578 : vector<16xi32>
      %swap3A_580 = arith.index_cast %add3A_564 : i32 to index
      %swap3A_581 = tpu.vector_load %arg7[%swap3A_580] {strides = array<i32>} : memref<13312xi32, #tpu.memory_space<vmem>>, vector<16xi32>,
      %swap3A_582 = vector.shape_cast %swap3A_581 : vector<16xi32> to vector<16xi32>
      %swap3A_583 = vector.shape_cast %add3A_579 : vector<16xi32> to vector<16xi32>
      tpu.vector_store %arg7[%swap3A_580], %swap3A_583 {strides = array<i32>} : memref<13312xi32, #tpu.memory_space<vmem>>, vector<16xi32>,
      %mul3A_584 = arith.constant 512 : i32
      %mul3A_585 = arith.muli %scan3A_94, %mul3A_584 : i32
      %add3A_586 = arith.constant 336 : i32
      %add3A_587 = arith.addi %mul3A_585, %add3A_586 : i32
      %get3A_588 = arith.index_cast %add3A_587 : i32 to index
      %get3A_589 = tpu.vector_load %arg7[%get3A_588] {strides = array<i32>} : memref<13312xi32, #tpu.memory_space<vmem>>, vector<16xi32>,
      %get3A_590 = vector.shape_cast %get3A_589 : vector<16xi32> to vector<16xi32>
      %shift_right_logical3A_591 = arith.constant 7 : i32
      %shift_right_logical3A_592 = vector.broadcast %shift_right_logical3A_591 : i32 to vector<16xi32>
      %shift_right_logical3A_593 = arith.shrui %get3A_590, %shift_right_logical3A_592 : vector<16xi32>
      %shift_left3A_594 = arith.constant 10 : i32
      %shift_left3A_595 = vector.broadcast %shift_left3A_594 : i32 to vector<16xi32>
      %shift_left3A_596 = arith.shli %shift_right_logical3A_593, %shift_left3A_595 : vector<16xi32>
      %add3A_597 = vector.broadcast %add3A_103 : i32 to vector<16xi32>
      %add3A_598 = arith.addi %add3A_597, %shift_left3A_596 : vector<16xi32>
      %and3A_599 = arith.constant 127 : i32
      %and3A_600 = vector.broadcast %and3A_599 : i32 to vector<16xi32>
      %and3A_601 = arith.andi %get3A_590, %and3A_600 : vector<16xi32>
      %add3A_602 = arith.addi %add3A_598, %and3A_601 : vector<16xi32>
      %swap3A_603 = arith.index_cast %add3A_587 : i32 to index
      %swap3A_604 = tpu.vector_load %arg7[%swap3A_603] {strides = array<i32>} : memref<13312xi32, #tpu.memory_space<vmem>>, vector<16xi32>,
      %swap3A_605 = vector.shape_cast %swap3A_604 : vector<16xi32> to vector<16xi32>
      %swap3A_606 = vector.shape_cast %add3A_602 : vector<16xi32> to vector<16xi32>
      tpu.vector_store %arg7[%swap3A_603], %swap3A_606 {strides = array<i32>} : memref<13312xi32, #tpu.memory_space<vmem>>, vector<16xi32>,
      %mul3A_607 = arith.constant 512 : i32
      %mul3A_608 = arith.muli %scan3A_94, %mul3A_607 : i32
      %add3A_609 = arith.constant 352 : i32
      %add3A_610 = arith.addi %mul3A_608, %add3A_609 : i32
      %get3A_611 = arith.index_cast %add3A_610 : i32 to index
      %get3A_612 = tpu.vector_load %arg7[%get3A_611] {strides = array<i32>} : memref<13312xi32, #tpu.memory_space<vmem>>, vector<16xi32>,
      %get3A_613 = vector.shape_cast %get3A_612 : vector<16xi32> to vector<16xi32>
      %shift_right_logical3A_614 = arith.constant 7 : i32
      %shift_right_logical3A_615 = vector.broadcast %shift_right_logical3A_614 : i32 to vector<16xi32>
      %shift_right_logical3A_616 = arith.shrui %get3A_613, %shift_right_logical3A_615 : vector<16xi32>
      %shift_left3A_617 = arith.constant 10 : i32
      %shift_left3A_618 = vector.broadcast %shift_left3A_617 : i32 to vector<16xi32>
      %shift_left3A_619 = arith.shli %shift_right_logical3A_616, %shift_left3A_618 : vector<16xi32>
      %add3A_620 = vector.broadcast %add3A_103 : i32 to vector<16xi32>
      %add3A_621 = arith.addi %add3A_620, %shift_left3A_619 : vector<16xi32>
      %and3A_622 = arith.constant 127 : i32
      %and3A_623 = vector.broadcast %and3A_622 : i32 to vector<16xi32>
      %and3A_624 = arith.andi %get3A_613, %and3A_623 : vector<16xi32>
      %add3A_625 = arith.addi %add3A_621, %and3A_624 : vector<16xi32>
      %swap3A_626 = arith.index_cast %add3A_610 : i32 to index
      %swap3A_627 = tpu.vector_load %arg7[%swap3A_626] {strides = array<i32>} : memref<13312xi32, #tpu.memory_space<vmem>>, vector<16xi32>,
      %swap3A_628 = vector.shape_cast %swap3A_627 : vector<16xi32> to vector<16xi32>
      %swap3A_629 = vector.shape_cast %add3A_625 : vector<16xi32> to vector<16xi32>
      tpu.vector_store %arg7[%swap3A_626], %swap3A_629 {strides = array<i32>} : memref<13312xi32, #tpu.memory_space<vmem>>, vector<16xi32>,
      %mul3A_630 = arith.constant 512 : i32
      %mul3A_631 = arith.muli %scan3A_94, %mul3A_630 : i32
      %add3A_632 = arith.constant 368 : i32
      %add3A_633 = arith.addi %mul3A_631, %add3A_632 : i32
      %get3A_634 = arith.index_cast %add3A_633 : i32 to index
      %get3A_635 = tpu.vector_load %arg7[%get3A_634] {strides = array<i32>} : memref<13312xi32, #tpu.memory_space<vmem>>, vector<16xi32>,
      %get3A_636 = vector.shape_cast %get3A_635 : vector<16xi32> to vector<16xi32>
      %shift_right_logical3A_637 = arith.constant 7 : i32
      %shift_right_logical3A_638 = vector.broadcast %shift_right_logical3A_637 : i32 to vector<16xi32>
      %shift_right_logical3A_639 = arith.shrui %get3A_636, %shift_right_logical3A_638 : vector<16xi32>
      %shift_left3A_640 = arith.constant 10 : i32
      %shift_left3A_641 = vector.broadcast %shift_left3A_640 : i32 to vector<16xi32>
      %shift_left3A_642 = arith.shli %shift_right_logical3A_639, %shift_left3A_641 : vector<16xi32>
      %add3A_643 = vector.broadcast %add3A_103 : i32 to vector<16xi32>
      %add3A_644 = arith.addi %add3A_643, %shift_left3A_642 : vector<16xi32>
      %and3A_645 = arith.constant 127 : i32
      %and3A_646 = vector.broadcast %and3A_645 : i32 to vector<16xi32>
      %and3A_647 = arith.andi %get3A_636, %and3A_646 : vector<16xi32>
      %add3A_648 = arith.addi %add3A_644, %and3A_647 : vector<16xi32>
      %swap3A_649 = arith.index_cast %add3A_633 : i32 to index
      %swap3A_650 = tpu.vector_load %arg7[%swap3A_649] {strides = array<i32>} : memref<13312xi32, #tpu.memory_space<vmem>>, vector<16xi32>,
      %swap3A_651 = vector.shape_cast %swap3A_650 : vector<16xi32> to vector<16xi32>
      %swap3A_652 = vector.shape_cast %add3A_648 : vector<16xi32> to vector<16xi32>
      tpu.vector_store %arg7[%swap3A_649], %swap3A_652 {strides = array<i32>} : memref<13312xi32, #tpu.memory_space<vmem>>, vector<16xi32>,
      %mul3A_653 = arith.constant 512 : i32
      %mul3A_654 = arith.muli %scan3A_94, %mul3A_653 : i32
      %add3A_655 = arith.constant 384 : i32
      %add3A_656 = arith.addi %mul3A_654, %add3A_655 : i32
      %get3A_657 = arith.index_cast %add3A_656 : i32 to index
      %get3A_658 = tpu.vector_load %arg7[%get3A_657] {strides = array<i32>} : memref<13312xi32, #tpu.memory_space<vmem>>, vector<16xi32>,
      %get3A_659 = vector.shape_cast %get3A_658 : vector<16xi32> to vector<16xi32>
      %shift_right_logical3A_660 = arith.constant 7 : i32
      %shift_right_logical3A_661 = vector.broadcast %shift_right_logical3A_660 : i32 to vector<16xi32>
      %shift_right_logical3A_662 = arith.shrui %get3A_659, %shift_right_logical3A_661 : vector<16xi32>
      %shift_left3A_663 = arith.constant 10 : i32
      %shift_left3A_664 = vector.broadcast %shift_left3A_663 : i32 to vector<16xi32>
      %shift_left3A_665 = arith.shli %shift_right_logical3A_662, %shift_left3A_664 : vector<16xi32>
      %add3A_666 = vector.broadcast %add3A_103 : i32 to vector<16xi32>
      %add3A_667 = arith.addi %add3A_666, %shift_left3A_665 : vector<16xi32>
      %and3A_668 = arith.constant 127 : i32
      %and3A_669 = vector.broadcast %and3A_668 : i32 to vector<16xi32>
      %and3A_670 = arith.andi %get3A_659, %and3A_669 : vector<16xi32>
      %add3A_671 = arith.addi %add3A_667, %and3A_670 : vector<16xi32>
      %swap3A_672 = arith.index_cast %add3A_656 : i32 to index
      %swap3A_673 = tpu.vector_load %arg7[%swap3A_672] {strides = array<i32>} : memref<13312xi32, #tpu.memory_space<vmem>>, vector<16xi32>,
      %swap3A_674 = vector.shape_cast %swap3A_673 : vector<16xi32> to vector<16xi32>
      %swap3A_675 = vector.shape_cast %add3A_671 : vector<16xi32> to vector<16xi32>
      tpu.vector_store %arg7[%swap3A_672], %swap3A_675 {strides = array<i32>} : memref<13312xi32, #tpu.memory_space<vmem>>, vector<16xi32>,
      %mul3A_676 = arith.constant 512 : i32
      %mul3A_677 = arith.muli %scan3A_94, %mul3A_676 : i32
      %add3A_678 = arith.constant 400 : i32
      %add3A_679 = arith.addi %mul3A_677, %add3A_678 : i32
      %get3A_680 = arith.index_cast %add3A_679 : i32 to index
      %get3A_681 = tpu.vector_load %arg7[%get3A_680] {strides = array<i32>} : memref<13312xi32, #tpu.memory_space<vmem>>, vector<16xi32>,
      %get3A_682 = vector.shape_cast %get3A_681 : vector<16xi32> to vector<16xi32>
      %shift_right_logical3A_683 = arith.constant 7 : i32
      %shift_right_logical3A_684 = vector.broadcast %shift_right_logical3A_683 : i32 to vector<16xi32>
      %shift_right_logical3A_685 = arith.shrui %get3A_682, %shift_right_logical3A_684 : vector<16xi32>
      %shift_left3A_686 = arith.constant 10 : i32
      %shift_left3A_687 = vector.broadcast %shift_left3A_686 : i32 to vector<16xi32>
      %shift_left3A_688 = arith.shli %shift_right_logical3A_685, %shift_left3A_687 : vector<16xi32>
      %add3A_689 = vector.broadcast %add3A_103 : i32 to vector<16xi32>
      %add3A_690 = arith.addi %add3A_689, %shift_left3A_688 : vector<16xi32>
      %and3A_691 = arith.constant 127 : i32
      %and3A_692 = vector.broadcast %and3A_691 : i32 to vector<16xi32>
      %and3A_693 = arith.andi %get3A_682, %and3A_692 : vector<16xi32>
      %add3A_694 = arith.addi %add3A_690, %and3A_693 : vector<16xi32>
      %swap3A_695 = arith.index_cast %add3A_679 : i32 to index
      %swap3A_696 = tpu.vector_load %arg7[%swap3A_695] {strides = array<i32>} : memref<13312xi32, #tpu.memory_space<vmem>>, vector<16xi32>,
      %swap3A_697 = vector.shape_cast %swap3A_696 : vector<16xi32> to vector<16xi32>
      %swap3A_698 = vector.shape_cast %add3A_694 : vector<16xi32> to vector<16xi32>
      tpu.vector_store %arg7[%swap3A_695], %swap3A_698 {strides = array<i32>} : memref<13312xi32, #tpu.memory_space<vmem>>, vector<16xi32>,
      %mul3A_699 = arith.constant 512 : i32
      %mul3A_700 = arith.muli %scan3A_94, %mul3A_699 : i32
      %add3A_701 = arith.constant 416 : i32
      %add3A_702 = arith.addi %mul3A_700, %add3A_701 : i32
      %get3A_703 = arith.index_cast %add3A_702 : i32 to index
      %get3A_704 = tpu.vector_load %arg7[%get3A_703] {strides = array<i32>} : memref<13312xi32, #tpu.memory_space<vmem>>, vector<16xi32>,
      %get3A_705 = vector.shape_cast %get3A_704 : vector<16xi32> to vector<16xi32>
      %shift_right_logical3A_706 = arith.constant 7 : i32
      %shift_right_logical3A_707 = vector.broadcast %shift_right_logical3A_706 : i32 to vector<16xi32>
      %shift_right_logical3A_708 = arith.shrui %get3A_705, %shift_right_logical3A_707 : vector<16xi32>
      %shift_left3A_709 = arith.constant 10 : i32
      %shift_left3A_710 = vector.broadcast %shift_left3A_709 : i32 to vector<16xi32>
      %shift_left3A_711 = arith.shli %shift_right_logical3A_708, %shift_left3A_710 : vector<16xi32>
      %add3A_712 = vector.broadcast %add3A_103 : i32 to vector<16xi32>
      %add3A_713 = arith.addi %add3A_712, %shift_left3A_711 : vector<16xi32>
      %and3A_714 = arith.constant 127 : i32
      %and3A_715 = vector.broadcast %and3A_714 : i32 to vector<16xi32>
      %and3A_716 = arith.andi %get3A_705, %and3A_715 : vector<16xi32>
      %add3A_717 = arith.addi %add3A_713, %and3A_716 : vector<16xi32>
      %swap3A_718 = arith.index_cast %add3A_702 : i32 to index
      %swap3A_719 = tpu.vector_load %arg7[%swap3A_718] {strides = array<i32>} : memref<13312xi32, #tpu.memory_space<vmem>>, vector<16xi32>,
      %swap3A_720 = vector.shape_cast %swap3A_719 : vector<16xi32> to vector<16xi32>
      %swap3A_721 = vector.shape_cast %add3A_717 : vector<16xi32> to vector<16xi32>
      tpu.vector_store %arg7[%swap3A_718], %swap3A_721 {strides = array<i32>} : memref<13312xi32, #tpu.memory_space<vmem>>, vector<16xi32>,
      %mul3A_722 = arith.constant 512 : i32
      %mul3A_723 = arith.muli %scan3A_94, %mul3A_722 : i32
      %add3A_724 = arith.constant 432 : i32
      %add3A_725 = arith.addi %mul3A_723, %add3A_724 : i32
      %get3A_726 = arith.index_cast %add3A_725 : i32 to index
      %get3A_727 = tpu.vector_load %arg7[%get3A_726] {strides = array<i32>} : memref<13312xi32, #tpu.memory_space<vmem>>, vector<16xi32>,
      %get3A_728 = vector.shape_cast %get3A_727 : vector<16xi32> to vector<16xi32>
      %shift_right_logical3A_729 = arith.constant 7 : i32
      %shift_right_logical3A_730 = vector.broadcast %shift_right_logical3A_729 : i32 to vector<16xi32>
      %shift_right_logical3A_731 = arith.shrui %get3A_728, %shift_right_logical3A_730 : vector<16xi32>
      %shift_left3A_732 = arith.constant 10 : i32
      %shift_left3A_733 = vector.broadcast %shift_left3A_732 : i32 to vector<16xi32>
      %shift_left3A_734 = arith.shli %shift_right_logical3A_731, %shift_left3A_733 : vector<16xi32>
      %add3A_735 = vector.broadcast %add3A_103 : i32 to vector<16xi32>
      %add3A_736 = arith.addi %add3A_735, %shift_left3A_734 : vector<16xi32>
      %and3A_737 = arith.constant 127 : i32
      %and3A_738 = vector.broadcast %and3A_737 : i32 to vector<16xi32>
      %and3A_739 = arith.andi %get3A_728, %and3A_738 : vector<16xi32>
      %add3A_740 = arith.addi %add3A_736, %and3A_739 : vector<16xi32>
      %swap3A_741 = arith.index_cast %add3A_725 : i32 to index
      %swap3A_742 = tpu.vector_load %arg7[%swap3A_741] {strides = array<i32>} : memref<13312xi32, #tpu.memory_space<vmem>>, vector<16xi32>,
      %swap3A_743 = vector.shape_cast %swap3A_742 : vector<16xi32> to vector<16xi32>
      %swap3A_744 = vector.shape_cast %add3A_740 : vector<16xi32> to vector<16xi32>
      tpu.vector_store %arg7[%swap3A_741], %swap3A_744 {strides = array<i32>} : memref<13312xi32, #tpu.memory_space<vmem>>, vector<16xi32>,
      %mul3A_745 = arith.constant 512 : i32
      %mul3A_746 = arith.muli %scan3A_94, %mul3A_745 : i32
      %add3A_747 = arith.constant 448 : i32
      %add3A_748 = arith.addi %mul3A_746, %add3A_747 : i32
      %get3A_749 = arith.index_cast %add3A_748 : i32 to index
      %get3A_750 = tpu.vector_load %arg7[%get3A_749] {strides = array<i32>} : memref<13312xi32, #tpu.memory_space<vmem>>, vector<16xi32>,
      %get3A_751 = vector.shape_cast %get3A_750 : vector<16xi32> to vector<16xi32>
      %shift_right_logical3A_752 = arith.constant 7 : i32
      %shift_right_logical3A_753 = vector.broadcast %shift_right_logical3A_752 : i32 to vector<16xi32>
      %shift_right_logical3A_754 = arith.shrui %get3A_751, %shift_right_logical3A_753 : vector<16xi32>
      %shift_left3A_755 = arith.constant 10 : i32
      %shift_left3A_756 = vector.broadcast %shift_left3A_755 : i32 to vector<16xi32>
      %shift_left3A_757 = arith.shli %shift_right_logical3A_754, %shift_left3A_756 : vector<16xi32>
      %add3A_758 = vector.broadcast %add3A_103 : i32 to vector<16xi32>
      %add3A_759 = arith.addi %add3A_758, %shift_left3A_757 : vector<16xi32>
      %and3A_760 = arith.constant 127 : i32
      %and3A_761 = vector.broadcast %and3A_760 : i32 to vector<16xi32>
      %and3A_762 = arith.andi %get3A_751, %and3A_761 : vector<16xi32>
      %add3A_763 = arith.addi %add3A_759, %and3A_762 : vector<16xi32>
      %swap3A_764 = arith.index_cast %add3A_748 : i32 to index
      %swap3A_765 = tpu.vector_load %arg7[%swap3A_764] {strides = array<i32>} : memref<13312xi32, #tpu.memory_space<vmem>>, vector<16xi32>,
      %swap3A_766 = vector.shape_cast %swap3A_765 : vector<16xi32> to vector<16xi32>
      %swap3A_767 = vector.shape_cast %add3A_763 : vector<16xi32> to vector<16xi32>
      tpu.vector_store %arg7[%swap3A_764], %swap3A_767 {strides = array<i32>} : memref<13312xi32, #tpu.memory_space<vmem>>, vector<16xi32>,
      %mul3A_768 = arith.constant 512 : i32
      %mul3A_769 = arith.muli %scan3A_94, %mul3A_768 : i32
      %add3A_770 = arith.constant 464 : i32
      %add3A_771 = arith.addi %mul3A_769, %add3A_770 : i32
      %get3A_772 = arith.index_cast %add3A_771 : i32 to index
      %get3A_773 = tpu.vector_load %arg7[%get3A_772] {strides = array<i32>} : memref<13312xi32, #tpu.memory_space<vmem>>, vector<16xi32>,
      %get3A_774 = vector.shape_cast %get3A_773 : vector<16xi32> to vector<16xi32>
      %shift_right_logical3A_775 = arith.constant 7 : i32
      %shift_right_logical3A_776 = vector.broadcast %shift_right_logical3A_775 : i32 to vector<16xi32>
      %shift_right_logical3A_777 = arith.shrui %get3A_774, %shift_right_logical3A_776 : vector<16xi32>
      %shift_left3A_778 = arith.constant 10 : i32
      %shift_left3A_779 = vector.broadcast %shift_left3A_778 : i32 to vector<16xi32>
      %shift_left3A_780 = arith.shli %shift_right_logical3A_777, %shift_left3A_779 : vector<16xi32>
      %add3A_781 = vector.broadcast %add3A_103 : i32 to vector<16xi32>
      %add3A_782 = arith.addi %add3A_781, %shift_left3A_780 : vector<16xi32>
      %and3A_783 = arith.constant 127 : i32
      %and3A_784 = vector.broadcast %and3A_783 : i32 to vector<16xi32>
      %and3A_785 = arith.andi %get3A_774, %and3A_784 : vector<16xi32>
      %add3A_786 = arith.addi %add3A_782, %and3A_785 : vector<16xi32>
      %swap3A_787 = arith.index_cast %add3A_771 : i32 to index
      %swap3A_788 = tpu.vector_load %arg7[%swap3A_787] {strides = array<i32>} : memref<13312xi32, #tpu.memory_space<vmem>>, vector<16xi32>,
      %swap3A_789 = vector.shape_cast %swap3A_788 : vector<16xi32> to vector<16xi32>
      %swap3A_790 = vector.shape_cast %add3A_786 : vector<16xi32> to vector<16xi32>
      tpu.vector_store %arg7[%swap3A_787], %swap3A_790 {strides = array<i32>} : memref<13312xi32, #tpu.memory_space<vmem>>, vector<16xi32>,
      %mul3A_791 = arith.constant 512 : i32
      %mul3A_792 = arith.muli %scan3A_94, %mul3A_791 : i32
      %add3A_793 = arith.constant 480 : i32
      %add3A_794 = arith.addi %mul3A_792, %add3A_793 : i32
      %get3A_795 = arith.index_cast %add3A_794 : i32 to index
      %get3A_796 = tpu.vector_load %arg7[%get3A_795] {strides = array<i32>} : memref<13312xi32, #tpu.memory_space<vmem>>, vector<16xi32>,
      %get3A_797 = vector.shape_cast %get3A_796 : vector<16xi32> to vector<16xi32>
      %shift_right_logical3A_798 = arith.constant 7 : i32
      %shift_right_logical3A_799 = vector.broadcast %shift_right_logical3A_798 : i32 to vector<16xi32>
      %shift_right_logical3A_800 = arith.shrui %get3A_797, %shift_right_logical3A_799 : vector<16xi32>
      %shift_left3A_801 = arith.constant 10 : i32
      %shift_left3A_802 = vector.broadcast %shift_left3A_801 : i32 to vector<16xi32>
      %shift_left3A_803 = arith.shli %shift_right_logical3A_800, %shift_left3A_802 : vector<16xi32>
      %add3A_804 = vector.broadcast %add3A_103 : i32 to vector<16xi32>
      %add3A_805 = arith.addi %add3A_804, %shift_left3A_803 : vector<16xi32>
      %and3A_806 = arith.constant 127 : i32
      %and3A_807 = vector.broadcast %and3A_806 : i32 to vector<16xi32>
      %and3A_808 = arith.andi %get3A_797, %and3A_807 : vector<16xi32>
      %add3A_809 = arith.addi %add3A_805, %and3A_808 : vector<16xi32>
      %swap3A_810 = arith.index_cast %add3A_794 : i32 to index
      %swap3A_811 = tpu.vector_load %arg7[%swap3A_810] {strides = array<i32>} : memref<13312xi32, #tpu.memory_space<vmem>>, vector<16xi32>,
      %swap3A_812 = vector.shape_cast %swap3A_811 : vector<16xi32> to vector<16xi32>
      %swap3A_813 = vector.shape_cast %add3A_809 : vector<16xi32> to vector<16xi32>
      tpu.vector_store %arg7[%swap3A_810], %swap3A_813 {strides = array<i32>} : memref<13312xi32, #tpu.memory_space<vmem>>, vector<16xi32>,
      %mul3A_814 = arith.constant 512 : i32
      %mul3A_815 = arith.muli %scan3A_94, %mul3A_814 : i32
      %add3A_816 = arith.constant 496 : i32
      %add3A_817 = arith.addi %mul3A_815, %add3A_816 : i32
      %get3A_818 = arith.index_cast %add3A_817 : i32 to index
      %get3A_819 = tpu.vector_load %arg7[%get3A_818] {strides = array<i32>} : memref<13312xi32, #tpu.memory_space<vmem>>, vector<16xi32>,
      %get3A_820 = vector.shape_cast %get3A_819 : vector<16xi32> to vector<16xi32>
      %shift_right_logical3A_821 = arith.constant 7 : i32
      %shift_right_logical3A_822 = vector.broadcast %shift_right_logical3A_821 : i32 to vector<16xi32>
      %shift_right_logical3A_823 = arith.shrui %get3A_820, %shift_right_logical3A_822 : vector<16xi32>
      %shift_left3A_824 = arith.constant 10 : i32
      %shift_left3A_825 = vector.broadcast %shift_left3A_824 : i32 to vector<16xi32>
      %shift_left3A_826 = arith.shli %shift_right_logical3A_823, %shift_left3A_825 : vector<16xi32>
      %add3A_827 = vector.broadcast %add3A_103 : i32 to vector<16xi32>
      %add3A_828 = arith.addi %add3A_827, %shift_left3A_826 : vector<16xi32>
      %and3A_829 = arith.constant 127 : i32
      %and3A_830 = vector.broadcast %and3A_829 : i32 to vector<16xi32>
      %and3A_831 = arith.andi %get3A_820, %and3A_830 : vector<16xi32>
      %add3A_832 = arith.addi %add3A_828, %and3A_831 : vector<16xi32>
      %swap3A_833 = arith.index_cast %add3A_817 : i32 to index
      %swap3A_834 = tpu.vector_load %arg7[%swap3A_833] {strides = array<i32>} : memref<13312xi32, #tpu.memory_space<vmem>>, vector<16xi32>,
      %swap3A_835 = vector.shape_cast %swap3A_834 : vector<16xi32> to vector<16xi32>
      %swap3A_836 = vector.shape_cast %add3A_832 : vector<16xi32> to vector<16xi32>
      tpu.vector_store %arg7[%swap3A_833], %swap3A_836 {strides = array<i32>} : memref<13312xi32, #tpu.memory_space<vmem>>, vector<16xi32>,
    }
    %scan3A_9 = arith.constant 26 : i32
    %dma_start3A = arith.constant 0 : i32
    %dma_start3A_10 = tpu.memref_slice %arg8[%dma_start3A] : memref<13312xf32, #tpu.memory_space<vmem>> -> memref<3328xf32, #tpu.memory_space<vmem>>
    %dma_start3A_11 = arith.constant 0 : i32
    %dma_start3A_12 = tpu.memref_slice %arg7[%dma_start3A_11] : memref<13312xi32, #tpu.memory_space<vmem>> -> memref<3328xi32, #tpu.memory_space<vmem>>
    %dma_start3A_13 = tpu.reinterpret_cast %arg4 : memref<26x1000000xf32, #tpu.memory_space<hbm>> -> memref<26000000xf32, #tpu.tiled<(128),[1]>, #tpu.memory_space<hbm>>
    tpu.enqueue_indirect_dma source(%dma_start3A_13 : memref<26000000xf32, #tpu.tiled<(128),[1]>, #tpu.memory_space<hbm>>) target(%dma_start3A_10 : memref<3328xf32, #tpu.memory_space<vmem>>) offsets(%dma_start3A_12 : memref<3328xi32, #tpu.memory_space<vmem>>) semaphore(%arg12 : memref<!tpu.dma_semaphore, #tpu.memory_space<semaphore_mem>>)
    %dma_start3A_14 = arith.constant 3328 : i32
    %dma_start3A_15 = tpu.memref_slice %arg8[%dma_start3A_14] : memref<13312xf32, #tpu.memory_space<vmem>> -> memref<3328xf32, #tpu.memory_space<vmem>>
    %dma_start3A_16 = arith.constant 3328 : i32
    %dma_start3A_17 = tpu.memref_slice %arg7[%dma_start3A_16] : memref<13312xi32, #tpu.memory_space<vmem>> -> memref<3328xi32, #tpu.memory_space<vmem>>
    %dma_start3A_18 = tpu.reinterpret_cast %arg4 : memref<26x1000000xf32, #tpu.memory_space<hbm>> -> memref<26000000xf32, #tpu.tiled<(128),[1]>, #tpu.memory_space<hbm>>
    tpu.enqueue_indirect_dma source(%dma_start3A_18 : memref<26000000xf32, #tpu.tiled<(128),[1]>, #tpu.memory_space<hbm>>) target(%dma_start3A_15 : memref<3328xf32, #tpu.memory_space<vmem>>) offsets(%dma_start3A_17 : memref<3328xi32, #tpu.memory_space<vmem>>) semaphore(%arg12 : memref<!tpu.dma_semaphore, #tpu.memory_space<semaphore_mem>>)
    %dma_start3A_19 = arith.constant 6656 : i32
    %dma_start3A_20 = tpu.memref_slice %arg8[%dma_start3A_19] : memref<13312xf32, #tpu.memory_space<vmem>> -> memref<3328xf32, #tpu.memory_space<vmem>>
    %dma_start3A_21 = arith.constant 6656 : i32
    %dma_start3A_22 = tpu.memref_slice %arg7[%dma_start3A_21] : memref<13312xi32, #tpu.memory_space<vmem>> -> memref<3328xi32, #tpu.memory_space<vmem>>
    %dma_start3A_23 = tpu.reinterpret_cast %arg4 : memref<26x1000000xf32, #tpu.memory_space<hbm>> -> memref<26000000xf32, #tpu.tiled<(128),[1]>, #tpu.memory_space<hbm>>
    tpu.enqueue_indirect_dma source(%dma_start3A_23 : memref<26000000xf32, #tpu.tiled<(128),[1]>, #tpu.memory_space<hbm>>) target(%dma_start3A_20 : memref<3328xf32, #tpu.memory_space<vmem>>) offsets(%dma_start3A_22 : memref<3328xi32, #tpu.memory_space<vmem>>) semaphore(%arg12 : memref<!tpu.dma_semaphore, #tpu.memory_space<semaphore_mem>>)
    %dma_start3A_24 = arith.constant 9984 : i32
    %dma_start3A_25 = tpu.memref_slice %arg8[%dma_start3A_24] : memref<13312xf32, #tpu.memory_space<vmem>> -> memref<3328xf32, #tpu.memory_space<vmem>>
    %dma_start3A_26 = arith.constant 9984 : i32
    %dma_start3A_27 = tpu.memref_slice %arg7[%dma_start3A_26] : memref<13312xi32, #tpu.memory_space<vmem>> -> memref<3328xi32, #tpu.memory_space<vmem>>
    %dma_start3A_28 = tpu.reinterpret_cast %arg4 : memref<26x1000000xf32, #tpu.memory_space<hbm>> -> memref<26000000xf32, #tpu.tiled<(128),[1]>, #tpu.memory_space<hbm>>
    tpu.enqueue_indirect_dma source(%dma_start3A_28 : memref<26000000xf32, #tpu.tiled<(128),[1]>, #tpu.memory_space<hbm>>) target(%dma_start3A_25 : memref<3328xf32, #tpu.memory_space<vmem>>) offsets(%dma_start3A_27 : memref<3328xi32, #tpu.memory_space<vmem>>) semaphore(%arg12 : memref<!tpu.dma_semaphore, #tpu.memory_space<semaphore_mem>>)
    %mul3A_29 = arith.constant 6656 : i32
    %mul3A_30 = arith.muli %add3A, %mul3A_29 : i32
    "tpu.region"() ({
      %run_scoped3A = tpu.sem_alloc : memref<!tpu.dma_semaphore, #tpu.memory_space<semaphore_mem>>
      %dma_start3A_94 = tpu.memref_slice %arg3[%mul3A_30] : memref<212992xf32, #tpu.memory_space<hbm>> -> memref<6656xf32, #tpu.memory_space<hbm>>
      %dma_start3A_95 = tpu.memref_slice %arg3[%mul3A_30] : memref<212992xf32, #tpu.memory_space<hbm>> -> memref<6656xf32, #tpu.memory_space<hbm>>
      tpu.enqueue_dma source(%dma_start3A_95 : memref<6656xf32, #tpu.memory_space<hbm>>) target(%arg9 : memref<6656xf32, #tpu.memory_space<vmem>>) target_semaphore(%run_scoped3A : memref<!tpu.dma_semaphore, #tpu.memory_space<semaphore_mem>>)
      %dma_wait3A_96 = tpu.memref_slice %arg3[%mul3A_30] : memref<212992xf32, #tpu.memory_space<hbm>> -> memref<6656xf32, #tpu.memory_space<hbm>>
      %dma_wait3A_97 = tpu.memref_slice %arg3[%mul3A_30] : memref<212992xf32, #tpu.memory_space<hbm>> -> memref<6656xf32, #tpu.memory_space<hbm>>
      tpu.wait_dma2 semaphore(%run_scoped3A : memref<!tpu.dma_semaphore, #tpu.memory_space<semaphore_mem>>) src(%dma_wait3A_97 : memref<6656xf32, #tpu.memory_space<hbm>>) dst(%arg9 : memref<6656xf32, #tpu.memory_space<vmem>>)
      tpu.yield
    }) : () -> ()
    "tpu.region"() ({
      %run_scoped3A = tpu.sem_alloc : memref<!tpu.dma_semaphore, #tpu.memory_space<semaphore_mem>>
      tpu.enqueue_dma source(%arg5 : memref<208xf32, #tpu.memory_space<hbm>>) target(%arg10 : memref<208xf32, #tpu.memory_space<vmem>>) target_semaphore(%run_scoped3A : memref<!tpu.dma_semaphore, #tpu.memory_space<semaphore_mem>>)
      tpu.wait_dma2 semaphore(%run_scoped3A : memref<!tpu.dma_semaphore, #tpu.memory_space<semaphore_mem>>) src(%arg5 : memref<208xf32, #tpu.memory_space<hbm>>) dst(%arg10 : memref<208xf32, #tpu.memory_space<vmem>>)
      tpu.yield
    }) : () -> ()
    %dma_wait3A = arith.constant 0 : i32
    %dma_wait3A_31 = tpu.memref_slice %arg8[%dma_wait3A] : memref<13312xf32, #tpu.memory_space<vmem>> -> memref<3328xf32, #tpu.memory_space<vmem>>
    %dma_wait3A_32 = arith.constant 0 : i32
    %dma_wait3A_33 = tpu.memref_slice %arg7[%dma_wait3A_32] : memref<13312xi32, #tpu.memory_space<vmem>> -> memref<3328xi32, #tpu.memory_space<vmem>>
    %dma_wait3A_34 = tpu.reinterpret_cast %arg4 : memref<26x1000000xf32, #tpu.memory_space<hbm>> -> memref<26000000xf32, #tpu.tiled<(128),[1]>, #tpu.memory_space<hbm>>
    tpu.wait_indirect_dma semaphore(%arg12 : memref<!tpu.dma_semaphore, #tpu.memory_space<semaphore_mem>>) src(%dma_wait3A_34 : memref<26000000xf32, #tpu.tiled<(128),[1]>, #tpu.memory_space<hbm>>) dst(%dma_wait3A_31 : memref<3328xf32, #tpu.memory_space<vmem>>)
    %dma_wait3A_35 = arith.constant 3328 : i32
    %dma_wait3A_36 = tpu.memref_slice %arg8[%dma_wait3A_35] : memref<13312xf32, #tpu.memory_space<vmem>> -> memref<3328xf32, #tpu.memory_space<vmem>>
    %dma_wait3A_37 = arith.constant 3328 : i32
    %dma_wait3A_38 = tpu.memref_slice %arg7[%dma_wait3A_37] : memref<13312xi32, #tpu.memory_space<vmem>> -> memref<3328xi32, #tpu.memory_space<vmem>>
    %dma_wait3A_39 = tpu.reinterpret_cast %arg4 : memref<26x1000000xf32, #tpu.memory_space<hbm>> -> memref<26000000xf32, #tpu.tiled<(128),[1]>, #tpu.memory_space<hbm>>
    tpu.wait_indirect_dma semaphore(%arg12 : memref<!tpu.dma_semaphore, #tpu.memory_space<semaphore_mem>>) src(%dma_wait3A_39 : memref<26000000xf32, #tpu.tiled<(128),[1]>, #tpu.memory_space<hbm>>) dst(%dma_wait3A_36 : memref<3328xf32, #tpu.memory_space<vmem>>)
    %dma_wait3A_40 = arith.constant 6656 : i32
    %dma_wait3A_41 = tpu.memref_slice %arg8[%dma_wait3A_40] : memref<13312xf32, #tpu.memory_space<vmem>> -> memref<3328xf32, #tpu.memory_space<vmem>>
    %dma_wait3A_42 = arith.constant 6656 : i32
    %dma_wait3A_43 = tpu.memref_slice %arg7[%dma_wait3A_42] : memref<13312xi32, #tpu.memory_space<vmem>> -> memref<3328xi32, #tpu.memory_space<vmem>>
    %dma_wait3A_44 = tpu.reinterpret_cast %arg4 : memref<26x1000000xf32, #tpu.memory_space<hbm>> -> memref<26000000xf32, #tpu.tiled<(128),[1]>, #tpu.memory_space<hbm>>
    tpu.wait_indirect_dma semaphore(%arg12 : memref<!tpu.dma_semaphore, #tpu.memory_space<semaphore_mem>>) src(%dma_wait3A_44 : memref<26000000xf32, #tpu.tiled<(128),[1]>, #tpu.memory_space<hbm>>) dst(%dma_wait3A_41 : memref<3328xf32, #tpu.memory_space<vmem>>)
    %dma_wait3A_45 = arith.constant 9984 : i32
    %dma_wait3A_46 = tpu.memref_slice %arg8[%dma_wait3A_45] : memref<13312xf32, #tpu.memory_space<vmem>> -> memref<3328xf32, #tpu.memory_space<vmem>>
    %dma_wait3A_47 = arith.constant 9984 : i32
    %dma_wait3A_48 = tpu.memref_slice %arg7[%dma_wait3A_47] : memref<13312xi32, #tpu.memory_space<vmem>> -> memref<3328xi32, #tpu.memory_space<vmem>>
    %dma_wait3A_49 = tpu.reinterpret_cast %arg4 : memref<26x1000000xf32, #tpu.memory_space<hbm>> -> memref<26000000xf32, #tpu.tiled<(128),[1]>, #tpu.memory_space<hbm>>
    tpu.wait_indirect_dma semaphore(%arg12 : memref<!tpu.dma_semaphore, #tpu.memory_space<semaphore_mem>>) src(%dma_wait3A_49 : memref<26000000xf32, #tpu.tiled<(128),[1]>, #tpu.memory_space<hbm>>) dst(%dma_wait3A_46 : memref<3328xf32, #tpu.memory_space<vmem>>)
    %get3A = arith.constant 0 : index
    %get3A_50 = tpu.vector_load %arg10[%get3A] {strides = array<i32>} : memref<208xf32, #tpu.memory_space<vmem>>, vector<16xf32>,
    %get3A_51 = vector.shape_cast %get3A_50 : vector<16xf32> to vector<16xf32>
    %get3A_52 = arith.constant 16 : index
    %get3A_53 = tpu.vector_load %arg10[%get3A_52] {strides = array<i32>} : memref<208xf32, #tpu.memory_space<vmem>>, vector<16xf32>,
    %get3A_54 = vector.shape_cast %get3A_53 : vector<16xf32> to vector<16xf32>
    %get3A_55 = arith.constant 32 : index
    %get3A_56 = tpu.vector_load %arg10[%get3A_55] {strides = array<i32>} : memref<208xf32, #tpu.memory_space<vmem>>, vector<16xf32>,
    %get3A_57 = vector.shape_cast %get3A_56 : vector<16xf32> to vector<16xf32>
    %get3A_58 = arith.constant 48 : index
    %get3A_59 = tpu.vector_load %arg10[%get3A_58] {strides = array<i32>} : memref<208xf32, #tpu.memory_space<vmem>>, vector<16xf32>,
    %get3A_60 = vector.shape_cast %get3A_59 : vector<16xf32> to vector<16xf32>
    %get3A_61 = arith.constant 64 : index
    %get3A_62 = tpu.vector_load %arg10[%get3A_61] {strides = array<i32>} : memref<208xf32, #tpu.memory_space<vmem>>, vector<16xf32>,
    %get3A_63 = vector.shape_cast %get3A_62 : vector<16xf32> to vector<16xf32>
    %get3A_64 = arith.constant 80 : index
    %get3A_65 = tpu.vector_load %arg10[%get3A_64] {strides = array<i32>} : memref<208xf32, #tpu.memory_space<vmem>>, vector<16xf32>,
    %get3A_66 = vector.shape_cast %get3A_65 : vector<16xf32> to vector<16xf32>
    %get3A_67 = arith.constant 96 : index
    %get3A_68 = tpu.vector_load %arg10[%get3A_67] {strides = array<i32>} : memref<208xf32, #tpu.memory_space<vmem>>, vector<16xf32>,
    %get3A_69 = vector.shape_cast %get3A_68 : vector<16xf32> to vector<16xf32>
    %get3A_70 = arith.constant 112 : index
    %get3A_71 = tpu.vector_load %arg10[%get3A_70] {strides = array<i32>} : memref<208xf32, #tpu.memory_space<vmem>>, vector<16xf32>,
    %get3A_72 = vector.shape_cast %get3A_71 : vector<16xf32> to vector<16xf32>
    %get3A_73 = arith.constant 128 : index
    %get3A_74 = tpu.vector_load %arg10[%get3A_73] {strides = array<i32>} : memref<208xf32, #tpu.memory_space<vmem>>, vector<16xf32>,
    %get3A_75 = vector.shape_cast %get3A_74 : vector<16xf32> to vector<16xf32>
    %get3A_76 = arith.constant 144 : index
    %get3A_77 = tpu.vector_load %arg10[%get3A_76] {strides = array<i32>} : memref<208xf32, #tpu.memory_space<vmem>>, vector<16xf32>,
    %get3A_78 = vector.shape_cast %get3A_77 : vector<16xf32> to vector<16xf32>
    %get3A_79 = arith.constant 160 : index
    %get3A_80 = tpu.vector_load %arg10[%get3A_79] {strides = array<i32>} : memref<208xf32, #tpu.memory_space<vmem>>, vector<16xf32>,
    %get3A_81 = vector.shape_cast %get3A_80 : vector<16xf32> to vector<16xf32>
    %get3A_82 = arith.constant 176 : index
    %get3A_83 = tpu.vector_load %arg10[%get3A_82] {strides = array<i32>} : memref<208xf32, #tpu.memory_space<vmem>>, vector<16xf32>,
    %get3A_84 = vector.shape_cast %get3A_83 : vector<16xf32> to vector<16xf32>
    %get3A_85 = arith.constant 192 : index
    %get3A_86 = tpu.vector_load %arg10[%get3A_85] {strides = array<i32>} : memref<208xf32, #tpu.memory_space<vmem>>, vector<16xf32>,
    %get3A_87 = vector.shape_cast %get3A_86 : vector<16xf32> to vector<16xf32>
    %scan3A_88 = arith.constant 0 : i32
    %scan3A_89 = arith.constant 0 : i32
    %scan3A_90 = arith.constant 32 : i32
    %scan3A_91 = arith.addi %scan3A_89, %scan3A_90 : i32
    %scan3A_92 = arith.constant 1 : i32
    scf.for %scan3A_94 = %scan3A_89 to %scan3A_91 step %scan3A_92  : i32 {
      %mul3A_95 = arith.constant 16 : i32
      %mul3A_96 = arith.muli %scan3A_94, %mul3A_95 : i32
      %get3A_97 = arith.index_cast %mul3A_96 : i32 to index
      %get3A_98 = tpu.vector_load %arg8[%get3A_97] {strides = array<i32>} : memref<13312xf32, #tpu.memory_space<vmem>>, vector<16xf32>,
      %get3A_99 = vector.shape_cast %get3A_98 : vector<16xf32> to vector<16xf32>
      %mul3A_100 = arith.constant 16 : i32
      %mul3A_101 = arith.muli %scan3A_94, %mul3A_100 : i32
      %add3A_102 = arith.constant 512 : i32
      %add3A_103 = arith.addi %add3A_102, %mul3A_101 : i32
      %get3A_104 = arith.index_cast %add3A_103 : i32 to index
      %get3A_105 = tpu.vector_load %arg8[%get3A_104] {strides = array<i32>} : memref<13312xf32, #tpu.memory_space<vmem>>, vector<16xf32>,
      %get3A_106 = vector.shape_cast %get3A_105 : vector<16xf32> to vector<16xf32>
      %add3A_107 = arith.addf %get3A_99, %get3A_106 : vector<16xf32>
      %mul3A_108 = arith.constant 16 : i32
      %mul3A_109 = arith.muli %scan3A_94, %mul3A_108 : i32
      %add3A_110 = arith.constant 1024 : i32
      %add3A_111 = arith.addi %add3A_110, %mul3A_109 : i32
      %get3A_112 = arith.index_cast %add3A_111 : i32 to index
      %get3A_113 = tpu.vector_load %arg8[%get3A_112] {strides = array<i32>} : memref<13312xf32, #tpu.memory_space<vmem>>, vector<16xf32>,
      %get3A_114 = vector.shape_cast %get3A_113 : vector<16xf32> to vector<16xf32>
      %add3A_115 = arith.addf %add3A_107, %get3A_114 : vector<16xf32>
      %mul3A_116 = arith.constant 16 : i32
      %mul3A_117 = arith.muli %scan3A_94, %mul3A_116 : i32
      %add3A_118 = arith.constant 1536 : i32
      %add3A_119 = arith.addi %add3A_118, %mul3A_117 : i32
      %get3A_120 = arith.index_cast %add3A_119 : i32 to index
      %get3A_121 = tpu.vector_load %arg8[%get3A_120] {strides = array<i32>} : memref<13312xf32, #tpu.memory_space<vmem>>, vector<16xf32>,
      %get3A_122 = vector.shape_cast %get3A_121 : vector<16xf32> to vector<16xf32>
      %add3A_123 = arith.addf %add3A_115, %get3A_122 : vector<16xf32>
      %mul3A_124 = arith.constant 16 : i32
      %mul3A_125 = arith.muli %scan3A_94, %mul3A_124 : i32
      %add3A_126 = arith.constant 2048 : i32
      %add3A_127 = arith.addi %add3A_126, %mul3A_125 : i32
      %get3A_128 = arith.index_cast %add3A_127 : i32 to index
      %get3A_129 = tpu.vector_load %arg8[%get3A_128] {strides = array<i32>} : memref<13312xf32, #tpu.memory_space<vmem>>, vector<16xf32>,
      %get3A_130 = vector.shape_cast %get3A_129 : vector<16xf32> to vector<16xf32>
      %add3A_131 = arith.addf %add3A_123, %get3A_130 : vector<16xf32>
      %mul3A_132 = arith.constant 16 : i32
      %mul3A_133 = arith.muli %scan3A_94, %mul3A_132 : i32
      %add3A_134 = arith.constant 2560 : i32
      %add3A_135 = arith.addi %add3A_134, %mul3A_133 : i32
      %get3A_136 = arith.index_cast %add3A_135 : i32 to index
      %get3A_137 = tpu.vector_load %arg8[%get3A_136] {strides = array<i32>} : memref<13312xf32, #tpu.memory_space<vmem>>, vector<16xf32>,
      %get3A_138 = vector.shape_cast %get3A_137 : vector<16xf32> to vector<16xf32>
      %add3A_139 = arith.addf %add3A_131, %get3A_138 : vector<16xf32>
      %mul3A_140 = arith.constant 16 : i32
      %mul3A_141 = arith.muli %scan3A_94, %mul3A_140 : i32
      %add3A_142 = arith.constant 3072 : i32
      %add3A_143 = arith.addi %add3A_142, %mul3A_141 : i32
      %get3A_144 = arith.index_cast %add3A_143 : i32 to index
      %get3A_145 = tpu.vector_load %arg8[%get3A_144] {strides = array<i32>} : memref<13312xf32, #tpu.memory_space<vmem>>, vector<16xf32>,
      %get3A_146 = vector.shape_cast %get3A_145 : vector<16xf32> to vector<16xf32>
      %add3A_147 = arith.addf %add3A_139, %get3A_146 : vector<16xf32>
      %mul3A_148 = arith.constant 16 : i32
      %mul3A_149 = arith.muli %scan3A_94, %mul3A_148 : i32
      %add3A_150 = arith.constant 3584 : i32
      %add3A_151 = arith.addi %add3A_150, %mul3A_149 : i32
      %get3A_152 = arith.index_cast %add3A_151 : i32 to index
      %get3A_153 = tpu.vector_load %arg8[%get3A_152] {strides = array<i32>} : memref<13312xf32, #tpu.memory_space<vmem>>, vector<16xf32>,
      %get3A_154 = vector.shape_cast %get3A_153 : vector<16xf32> to vector<16xf32>
      %add3A_155 = arith.addf %add3A_147, %get3A_154 : vector<16xf32>
      %mul3A_156 = arith.constant 16 : i32
      %mul3A_157 = arith.muli %scan3A_94, %mul3A_156 : i32
      %add3A_158 = arith.constant 4096 : i32
      %add3A_159 = arith.addi %add3A_158, %mul3A_157 : i32
      %get3A_160 = arith.index_cast %add3A_159 : i32 to index
      %get3A_161 = tpu.vector_load %arg8[%get3A_160] {strides = array<i32>} : memref<13312xf32, #tpu.memory_space<vmem>>, vector<16xf32>,
      %get3A_162 = vector.shape_cast %get3A_161 : vector<16xf32> to vector<16xf32>
      %add3A_163 = arith.addf %add3A_155, %get3A_162 : vector<16xf32>
      %mul3A_164 = arith.constant 16 : i32
      %mul3A_165 = arith.muli %scan3A_94, %mul3A_164 : i32
      %add3A_166 = arith.constant 4608 : i32
      %add3A_167 = arith.addi %add3A_166, %mul3A_165 : i32
      %get3A_168 = arith.index_cast %add3A_167 : i32 to index
      %get3A_169 = tpu.vector_load %arg8[%get3A_168] {strides = array<i32>} : memref<13312xf32, #tpu.memory_space<vmem>>, vector<16xf32>,
      %get3A_170 = vector.shape_cast %get3A_169 : vector<16xf32> to vector<16xf32>
      %add3A_171 = arith.addf %add3A_163, %get3A_170 : vector<16xf32>
      %mul3A_172 = arith.constant 16 : i32
      %mul3A_173 = arith.muli %scan3A_94, %mul3A_172 : i32
      %add3A_174 = arith.constant 5120 : i32
      %add3A_175 = arith.addi %add3A_174, %mul3A_173 : i32
      %get3A_176 = arith.index_cast %add3A_175 : i32 to index
      %get3A_177 = tpu.vector_load %arg8[%get3A_176] {strides = array<i32>} : memref<13312xf32, #tpu.memory_space<vmem>>, vector<16xf32>,
      %get3A_178 = vector.shape_cast %get3A_177 : vector<16xf32> to vector<16xf32>
      %add3A_179 = arith.addf %add3A_171, %get3A_178 : vector<16xf32>
      %mul3A_180 = arith.constant 16 : i32
      %mul3A_181 = arith.muli %scan3A_94, %mul3A_180 : i32
      %add3A_182 = arith.constant 5632 : i32
      %add3A_183 = arith.addi %add3A_182, %mul3A_181 : i32
      %get3A_184 = arith.index_cast %add3A_183 : i32 to index
      %get3A_185 = tpu.vector_load %arg8[%get3A_184] {strides = array<i32>} : memref<13312xf32, #tpu.memory_space<vmem>>, vector<16xf32>,
      %get3A_186 = vector.shape_cast %get3A_185 : vector<16xf32> to vector<16xf32>
      %add3A_187 = arith.addf %add3A_179, %get3A_186 : vector<16xf32>
      %mul3A_188 = arith.constant 16 : i32
      %mul3A_189 = arith.muli %scan3A_94, %mul3A_188 : i32
      %add3A_190 = arith.constant 6144 : i32
      %add3A_191 = arith.addi %add3A_190, %mul3A_189 : i32
      %get3A_192 = arith.index_cast %add3A_191 : i32 to index
      %get3A_193 = tpu.vector_load %arg8[%get3A_192] {strides = array<i32>} : memref<13312xf32, #tpu.memory_space<vmem>>, vector<16xf32>,
      %get3A_194 = vector.shape_cast %get3A_193 : vector<16xf32> to vector<16xf32>
      %add3A_195 = arith.addf %add3A_187, %get3A_194 : vector<16xf32>
      %mul3A_196 = arith.constant 16 : i32
      %mul3A_197 = arith.muli %scan3A_94, %mul3A_196 : i32
      %add3A_198 = arith.constant 6656 : i32
      %add3A_199 = arith.addi %add3A_198, %mul3A_197 : i32
      %get3A_200 = arith.index_cast %add3A_199 : i32 to index
      %get3A_201 = tpu.vector_load %arg8[%get3A_200] {strides = array<i32>} : memref<13312xf32, #tpu.memory_space<vmem>>, vector<16xf32>,
      %get3A_202 = vector.shape_cast %get3A_201 : vector<16xf32> to vector<16xf32>
      %add3A_203 = arith.addf %add3A_195, %get3A_202 : vector<16xf32>
      %mul3A_204 = arith.constant 16 : i32
      %mul3A_205 = arith.muli %scan3A_94, %mul3A_204 : i32
      %add3A_206 = arith.constant 7168 : i32
      %add3A_207 = arith.addi %add3A_206, %mul3A_205 : i32
      %get3A_208 = arith.index_cast %add3A_207 : i32 to index
      %get3A_209 = tpu.vector_load %arg8[%get3A_208] {strides = array<i32>} : memref<13312xf32, #tpu.memory_space<vmem>>, vector<16xf32>,
      %get3A_210 = vector.shape_cast %get3A_209 : vector<16xf32> to vector<16xf32>
      %add3A_211 = arith.addf %add3A_203, %get3A_210 : vector<16xf32>
      %mul3A_212 = arith.constant 16 : i32
      %mul3A_213 = arith.muli %scan3A_94, %mul3A_212 : i32
      %add3A_214 = arith.constant 7680 : i32
      %add3A_215 = arith.addi %add3A_214, %mul3A_213 : i32
      %get3A_216 = arith.index_cast %add3A_215 : i32 to index
      %get3A_217 = tpu.vector_load %arg8[%get3A_216] {strides = array<i32>} : memref<13312xf32, #tpu.memory_space<vmem>>, vector<16xf32>,
      %get3A_218 = vector.shape_cast %get3A_217 : vector<16xf32> to vector<16xf32>
      %add3A_219 = arith.addf %add3A_211, %get3A_218 : vector<16xf32>
      %mul3A_220 = arith.constant 16 : i32
      %mul3A_221 = arith.muli %scan3A_94, %mul3A_220 : i32
      %add3A_222 = arith.constant 8192 : i32
      %add3A_223 = arith.addi %add3A_222, %mul3A_221 : i32
      %get3A_224 = arith.index_cast %add3A_223 : i32 to index
      %get3A_225 = tpu.vector_load %arg8[%get3A_224] {strides = array<i32>} : memref<13312xf32, #tpu.memory_space<vmem>>, vector<16xf32>,
      %get3A_226 = vector.shape_cast %get3A_225 : vector<16xf32> to vector<16xf32>
      %add3A_227 = arith.addf %add3A_219, %get3A_226 : vector<16xf32>
      %mul3A_228 = arith.constant 16 : i32
      %mul3A_229 = arith.muli %scan3A_94, %mul3A_228 : i32
      %add3A_230 = arith.constant 8704 : i32
      %add3A_231 = arith.addi %add3A_230, %mul3A_229 : i32
      %get3A_232 = arith.index_cast %add3A_231 : i32 to index
      %get3A_233 = tpu.vector_load %arg8[%get3A_232] {strides = array<i32>} : memref<13312xf32, #tpu.memory_space<vmem>>, vector<16xf32>,
      %get3A_234 = vector.shape_cast %get3A_233 : vector<16xf32> to vector<16xf32>
      %add3A_235 = arith.addf %add3A_227, %get3A_234 : vector<16xf32>
      %mul3A_236 = arith.constant 16 : i32
      %mul3A_237 = arith.muli %scan3A_94, %mul3A_236 : i32
      %add3A_238 = arith.constant 9216 : i32
      %add3A_239 = arith.addi %add3A_238, %mul3A_237 : i32
      %get3A_240 = arith.index_cast %add3A_239 : i32 to index
      %get3A_241 = tpu.vector_load %arg8[%get3A_240] {strides = array<i32>} : memref<13312xf32, #tpu.memory_space<vmem>>, vector<16xf32>,
      %get3A_242 = vector.shape_cast %get3A_241 : vector<16xf32> to vector<16xf32>
      %add3A_243 = arith.addf %add3A_235, %get3A_242 : vector<16xf32>
      %mul3A_244 = arith.constant 16 : i32
      %mul3A_245 = arith.muli %scan3A_94, %mul3A_244 : i32
      %add3A_246 = arith.constant 9728 : i32
      %add3A_247 = arith.addi %add3A_246, %mul3A_245 : i32
      %get3A_248 = arith.index_cast %add3A_247 : i32 to index
      %get3A_249 = tpu.vector_load %arg8[%get3A_248] {strides = array<i32>} : memref<13312xf32, #tpu.memory_space<vmem>>, vector<16xf32>,
      %get3A_250 = vector.shape_cast %get3A_249 : vector<16xf32> to vector<16xf32>
      %add3A_251 = arith.addf %add3A_243, %get3A_250 : vector<16xf32>
      %mul3A_252 = arith.constant 16 : i32
      %mul3A_253 = arith.muli %scan3A_94, %mul3A_252 : i32
      %add3A_254 = arith.constant 10240 : i32
      %add3A_255 = arith.addi %add3A_254, %mul3A_253 : i32
      %get3A_256 = arith.index_cast %add3A_255 : i32 to index
      %get3A_257 = tpu.vector_load %arg8[%get3A_256] {strides = array<i32>} : memref<13312xf32, #tpu.memory_space<vmem>>, vector<16xf32>,
      %get3A_258 = vector.shape_cast %get3A_257 : vector<16xf32> to vector<16xf32>
      %add3A_259 = arith.addf %add3A_251, %get3A_258 : vector<16xf32>
      %mul3A_260 = arith.constant 16 : i32
      %mul3A_261 = arith.muli %scan3A_94, %mul3A_260 : i32
      %add3A_262 = arith.constant 10752 : i32
      %add3A_263 = arith.addi %add3A_262, %mul3A_261 : i32
      %get3A_264 = arith.index_cast %add3A_263 : i32 to index
      %get3A_265 = tpu.vector_load %arg8[%get3A_264] {strides = array<i32>} : memref<13312xf32, #tpu.memory_space<vmem>>, vector<16xf32>,
      %get3A_266 = vector.shape_cast %get3A_265 : vector<16xf32> to vector<16xf32>
      %add3A_267 = arith.addf %add3A_259, %get3A_266 : vector<16xf32>
      %mul3A_268 = arith.constant 16 : i32
      %mul3A_269 = arith.muli %scan3A_94, %mul3A_268 : i32
      %add3A_270 = arith.constant 11264 : i32
      %add3A_271 = arith.addi %add3A_270, %mul3A_269 : i32
      %get3A_272 = arith.index_cast %add3A_271 : i32 to index
      %get3A_273 = tpu.vector_load %arg8[%get3A_272] {strides = array<i32>} : memref<13312xf32, #tpu.memory_space<vmem>>, vector<16xf32>,
      %get3A_274 = vector.shape_cast %get3A_273 : vector<16xf32> to vector<16xf32>
      %add3A_275 = arith.addf %add3A_267, %get3A_274 : vector<16xf32>
      %mul3A_276 = arith.constant 16 : i32
      %mul3A_277 = arith.muli %scan3A_94, %mul3A_276 : i32
      %add3A_278 = arith.constant 11776 : i32
      %add3A_279 = arith.addi %add3A_278, %mul3A_277 : i32
      %get3A_280 = arith.index_cast %add3A_279 : i32 to index
      %get3A_281 = tpu.vector_load %arg8[%get3A_280] {strides = array<i32>} : memref<13312xf32, #tpu.memory_space<vmem>>, vector<16xf32>,
      %get3A_282 = vector.shape_cast %get3A_281 : vector<16xf32> to vector<16xf32>
      %add3A_283 = arith.addf %add3A_275, %get3A_282 : vector<16xf32>
      %mul3A_284 = arith.constant 16 : i32
      %mul3A_285 = arith.muli %scan3A_94, %mul3A_284 : i32
      %add3A_286 = arith.constant 12288 : i32
      %add3A_287 = arith.addi %add3A_286, %mul3A_285 : i32
      %get3A_288 = arith.index_cast %add3A_287 : i32 to index
      %get3A_289 = tpu.vector_load %arg8[%get3A_288] {strides = array<i32>} : memref<13312xf32, #tpu.memory_space<vmem>>, vector<16xf32>,
      %get3A_290 = vector.shape_cast %get3A_289 : vector<16xf32> to vector<16xf32>
      %add3A_291 = arith.addf %add3A_283, %get3A_290 : vector<16xf32>
      %mul3A_292 = arith.constant 16 : i32
      %mul3A_293 = arith.muli %scan3A_94, %mul3A_292 : i32
      %add3A_294 = arith.constant 12800 : i32
      %add3A_295 = arith.addi %add3A_294, %mul3A_293 : i32
      %get3A_296 = arith.index_cast %add3A_295 : i32 to index
      %get3A_297 = tpu.vector_load %arg8[%get3A_296] {strides = array<i32>} : memref<13312xf32, #tpu.memory_space<vmem>>, vector<16xf32>,
      %get3A_298 = vector.shape_cast %get3A_297 : vector<16xf32> to vector<16xf32>
      %add3A_299 = arith.addf %add3A_291, %get3A_298 : vector<16xf32>
      %mul3A_300 = arith.constant 16 : i32
      %mul3A_301 = arith.muli %scan3A_94, %mul3A_300 : i32
      %add3A_302 = arith.constant 0 : i32
      %add3A_303 = arith.addi %add3A_302, %mul3A_301 : i32
      %get3A_304 = arith.index_cast %add3A_303 : i32 to index
      %get3A_305 = tpu.vector_load %arg9[%get3A_304] {strides = array<i32>} : memref<6656xf32, #tpu.memory_space<vmem>>, vector<16xf32>,
      %get3A_306 = vector.shape_cast %get3A_305 : vector<16xf32> to vector<16xf32>
      %mul3A_307 = arith.mulf %get3A_306, %get3A_51 : vector<16xf32>
      %add3A_308 = arith.addf %add3A_299, %mul3A_307 : vector<16xf32>
      %mul3A_309 = arith.constant 16 : i32
      %mul3A_310 = arith.muli %scan3A_94, %mul3A_309 : i32
      %add3A_311 = arith.constant 512 : i32
      %add3A_312 = arith.addi %add3A_311, %mul3A_310 : i32
      %get3A_313 = arith.index_cast %add3A_312 : i32 to index
      %get3A_314 = tpu.vector_load %arg9[%get3A_313] {strides = array<i32>} : memref<6656xf32, #tpu.memory_space<vmem>>, vector<16xf32>,
      %get3A_315 = vector.shape_cast %get3A_314 : vector<16xf32> to vector<16xf32>
      %mul3A_316 = arith.mulf %get3A_315, %get3A_54 : vector<16xf32>
      %add3A_317 = arith.addf %add3A_308, %mul3A_316 : vector<16xf32>
      %mul3A_318 = arith.constant 16 : i32
      %mul3A_319 = arith.muli %scan3A_94, %mul3A_318 : i32
      %add3A_320 = arith.constant 1024 : i32
      %add3A_321 = arith.addi %add3A_320, %mul3A_319 : i32
      %get3A_322 = arith.index_cast %add3A_321 : i32 to index
      %get3A_323 = tpu.vector_load %arg9[%get3A_322] {strides = array<i32>} : memref<6656xf32, #tpu.memory_space<vmem>>, vector<16xf32>,
      %get3A_324 = vector.shape_cast %get3A_323 : vector<16xf32> to vector<16xf32>
      %mul3A_325 = arith.mulf %get3A_324, %get3A_57 : vector<16xf32>
      %add3A_326 = arith.addf %add3A_317, %mul3A_325 : vector<16xf32>
      %mul3A_327 = arith.constant 16 : i32
      %mul3A_328 = arith.muli %scan3A_94, %mul3A_327 : i32
      %add3A_329 = arith.constant 1536 : i32
      %add3A_330 = arith.addi %add3A_329, %mul3A_328 : i32
      %get3A_331 = arith.index_cast %add3A_330 : i32 to index
      %get3A_332 = tpu.vector_load %arg9[%get3A_331] {strides = array<i32>} : memref<6656xf32, #tpu.memory_space<vmem>>, vector<16xf32>,
      %get3A_333 = vector.shape_cast %get3A_332 : vector<16xf32> to vector<16xf32>
      %mul3A_334 = arith.mulf %get3A_333, %get3A_60 : vector<16xf32>
      %add3A_335 = arith.addf %add3A_326, %mul3A_334 : vector<16xf32>
      %mul3A_336 = arith.constant 16 : i32
      %mul3A_337 = arith.muli %scan3A_94, %mul3A_336 : i32
      %add3A_338 = arith.constant 2048 : i32
      %add3A_339 = arith.addi %add3A_338, %mul3A_337 : i32
      %get3A_340 = arith.index_cast %add3A_339 : i32 to index
      %get3A_341 = tpu.vector_load %arg9[%get3A_340] {strides = array<i32>} : memref<6656xf32, #tpu.memory_space<vmem>>, vector<16xf32>,
      %get3A_342 = vector.shape_cast %get3A_341 : vector<16xf32> to vector<16xf32>
      %mul3A_343 = arith.mulf %get3A_342, %get3A_63 : vector<16xf32>
      %add3A_344 = arith.addf %add3A_335, %mul3A_343 : vector<16xf32>
      %mul3A_345 = arith.constant 16 : i32
      %mul3A_346 = arith.muli %scan3A_94, %mul3A_345 : i32
      %add3A_347 = arith.constant 2560 : i32
      %add3A_348 = arith.addi %add3A_347, %mul3A_346 : i32
      %get3A_349 = arith.index_cast %add3A_348 : i32 to index
      %get3A_350 = tpu.vector_load %arg9[%get3A_349] {strides = array<i32>} : memref<6656xf32, #tpu.memory_space<vmem>>, vector<16xf32>,
      %get3A_351 = vector.shape_cast %get3A_350 : vector<16xf32> to vector<16xf32>
      %mul3A_352 = arith.mulf %get3A_351, %get3A_66 : vector<16xf32>
      %add3A_353 = arith.addf %add3A_344, %mul3A_352 : vector<16xf32>
      %mul3A_354 = arith.constant 16 : i32
      %mul3A_355 = arith.muli %scan3A_94, %mul3A_354 : i32
      %add3A_356 = arith.constant 3072 : i32
      %add3A_357 = arith.addi %add3A_356, %mul3A_355 : i32
      %get3A_358 = arith.index_cast %add3A_357 : i32 to index
      %get3A_359 = tpu.vector_load %arg9[%get3A_358] {strides = array<i32>} : memref<6656xf32, #tpu.memory_space<vmem>>, vector<16xf32>,
      %get3A_360 = vector.shape_cast %get3A_359 : vector<16xf32> to vector<16xf32>
      %mul3A_361 = arith.mulf %get3A_360, %get3A_69 : vector<16xf32>
      %add3A_362 = arith.addf %add3A_353, %mul3A_361 : vector<16xf32>
      %mul3A_363 = arith.constant 16 : i32
      %mul3A_364 = arith.muli %scan3A_94, %mul3A_363 : i32
      %add3A_365 = arith.constant 3584 : i32
      %add3A_366 = arith.addi %add3A_365, %mul3A_364 : i32
      %get3A_367 = arith.index_cast %add3A_366 : i32 to index
      %get3A_368 = tpu.vector_load %arg9[%get3A_367] {strides = array<i32>} : memref<6656xf32, #tpu.memory_space<vmem>>, vector<16xf32>,
      %get3A_369 = vector.shape_cast %get3A_368 : vector<16xf32> to vector<16xf32>
      %mul3A_370 = arith.mulf %get3A_369, %get3A_72 : vector<16xf32>
      %add3A_371 = arith.addf %add3A_362, %mul3A_370 : vector<16xf32>
      %mul3A_372 = arith.constant 16 : i32
      %mul3A_373 = arith.muli %scan3A_94, %mul3A_372 : i32
      %add3A_374 = arith.constant 4096 : i32
      %add3A_375 = arith.addi %add3A_374, %mul3A_373 : i32
      %get3A_376 = arith.index_cast %add3A_375 : i32 to index
      %get3A_377 = tpu.vector_load %arg9[%get3A_376] {strides = array<i32>} : memref<6656xf32, #tpu.memory_space<vmem>>, vector<16xf32>,
      %get3A_378 = vector.shape_cast %get3A_377 : vector<16xf32> to vector<16xf32>
      %mul3A_379 = arith.mulf %get3A_378, %get3A_75 : vector<16xf32>
      %add3A_380 = arith.addf %add3A_371, %mul3A_379 : vector<16xf32>
      %mul3A_381 = arith.constant 16 : i32
      %mul3A_382 = arith.muli %scan3A_94, %mul3A_381 : i32
      %add3A_383 = arith.constant 4608 : i32
      %add3A_384 = arith.addi %add3A_383, %mul3A_382 : i32
      %get3A_385 = arith.index_cast %add3A_384 : i32 to index
      %get3A_386 = tpu.vector_load %arg9[%get3A_385] {strides = array<i32>} : memref<6656xf32, #tpu.memory_space<vmem>>, vector<16xf32>,
      %get3A_387 = vector.shape_cast %get3A_386 : vector<16xf32> to vector<16xf32>
      %mul3A_388 = arith.mulf %get3A_387, %get3A_78 : vector<16xf32>
      %add3A_389 = arith.addf %add3A_380, %mul3A_388 : vector<16xf32>
      %mul3A_390 = arith.constant 16 : i32
      %mul3A_391 = arith.muli %scan3A_94, %mul3A_390 : i32
      %add3A_392 = arith.constant 5120 : i32
      %add3A_393 = arith.addi %add3A_392, %mul3A_391 : i32
      %get3A_394 = arith.index_cast %add3A_393 : i32 to index
      %get3A_395 = tpu.vector_load %arg9[%get3A_394] {strides = array<i32>} : memref<6656xf32, #tpu.memory_space<vmem>>, vector<16xf32>,
      %get3A_396 = vector.shape_cast %get3A_395 : vector<16xf32> to vector<16xf32>
      %mul3A_397 = arith.mulf %get3A_396, %get3A_81 : vector<16xf32>
      %add3A_398 = arith.addf %add3A_389, %mul3A_397 : vector<16xf32>
      %mul3A_399 = arith.constant 16 : i32
      %mul3A_400 = arith.muli %scan3A_94, %mul3A_399 : i32
      %add3A_401 = arith.constant 5632 : i32
      %add3A_402 = arith.addi %add3A_401, %mul3A_400 : i32
      %get3A_403 = arith.index_cast %add3A_402 : i32 to index
      %get3A_404 = tpu.vector_load %arg9[%get3A_403] {strides = array<i32>} : memref<6656xf32, #tpu.memory_space<vmem>>, vector<16xf32>,
      %get3A_405 = vector.shape_cast %get3A_404 : vector<16xf32> to vector<16xf32>
      %mul3A_406 = arith.mulf %get3A_405, %get3A_84 : vector<16xf32>
      %add3A_407 = arith.addf %add3A_398, %mul3A_406 : vector<16xf32>
      %mul3A_408 = arith.constant 16 : i32
      %mul3A_409 = arith.muli %scan3A_94, %mul3A_408 : i32
      %add3A_410 = arith.constant 6144 : i32
      %add3A_411 = arith.addi %add3A_410, %mul3A_409 : i32
      %get3A_412 = arith.index_cast %add3A_411 : i32 to index
      %get3A_413 = tpu.vector_load %arg9[%get3A_412] {strides = array<i32>} : memref<6656xf32, #tpu.memory_space<vmem>>, vector<16xf32>,
      %get3A_414 = vector.shape_cast %get3A_413 : vector<16xf32> to vector<16xf32>
      %mul3A_415 = arith.mulf %get3A_414, %get3A_87 : vector<16xf32>
      %add3A_416 = arith.addf %add3A_407, %mul3A_415 : vector<16xf32>
      %mul3A_417 = arith.constant 16 : i32
      %mul3A_418 = arith.muli %scan3A_94, %mul3A_417 : i32
      %swap3A = arith.index_cast %mul3A_418 : i32 to index
      %swap3A_419 = tpu.vector_load %arg11[%swap3A] {strides = array<i32>} : memref<512xf32, #tpu.memory_space<vmem>>, vector<16xf32>,
      %swap3A_420 = vector.shape_cast %swap3A_419 : vector<16xf32> to vector<16xf32>
      %swap3A_421 = vector.shape_cast %add3A_416 : vector<16xf32> to vector<16xf32>
      tpu.vector_store %arg11[%swap3A], %swap3A_421 {strides = array<i32>} : memref<512xf32, #tpu.memory_space<vmem>>, vector<16xf32>,
    }
    %scan3A_93 = arith.constant 32 : i32
    "tpu.region"() ({
      %run_scoped3A = tpu.sem_alloc : memref<!tpu.dma_semaphore, #tpu.memory_space<semaphore_mem>>
      %dma_start3A_94 = tpu.memref_slice %arg6[%mul3A_2] : memref<16384xf32, #tpu.memory_space<hbm>> -> memref<512xf32, #tpu.memory_space<hbm>>
      %dma_start3A_95 = tpu.memref_slice %arg6[%mul3A_2] : memref<16384xf32, #tpu.memory_space<hbm>> -> memref<512xf32, #tpu.memory_space<hbm>>
      tpu.enqueue_dma source(%arg11 : memref<512xf32, #tpu.memory_space<vmem>>) target(%dma_start3A_95 : memref<512xf32, #tpu.memory_space<hbm>>) target_semaphore(%run_scoped3A : memref<!tpu.dma_semaphore, #tpu.memory_space<semaphore_mem>>)
      %dma_wait3A_96 = tpu.memref_slice %arg6[%mul3A_2] : memref<16384xf32, #tpu.memory_space<hbm>> -> memref<512xf32, #tpu.memory_space<hbm>>
      %dma_wait3A_97 = tpu.memref_slice %arg6[%mul3A_2] : memref<16384xf32, #tpu.memory_space<hbm>> -> memref<512xf32, #tpu.memory_space<hbm>>
      tpu.wait_dma2 semaphore(%run_scoped3A : memref<!tpu.dma_semaphore, #tpu.memory_space<semaphore_mem>>) src(%arg11 : memref<512xf32, #tpu.memory_space<vmem>>) dst(%dma_wait3A_97 : memref<512xf32, #tpu.memory_space<hbm>>)
      tpu.yield
    }) : () -> ()
    return
  }
}

</mosaic_0001>

<sc_bundles>
// kernel: kernel.3.cloned.1.call-start
scs
__scs_entry_jumppad:
0x0: {  	(pc) =	sbr.rel $0x88, $3  }
0x1: {  	(tag) =	ssettag $0x0;
	lr =	simm.s32 $0x1  }
0x2: {  	[smem:$0x3F9E] =	sst lr;
	_ =	strace $0xD0000000  }
0x3: {  	_ = 	snop  }
0x4: {  	_ = 	snop  }
0x5: {  	_ = 	snop  }
0x6: {  	_ = 	snop  }
0x7: {  	_ = 	snop  }
__scs_overlays_trampoline_lowered:
0x8: {  	[smem:$0x3FAD] =	sst s0  }
0x9: {  	[smem:$0x3FAE] =	sst s1  }
0xa: {  	[smem:$0x3FAF] =	sst s2  }
0xb: {  	[smem:$0x3FB0] =	sst s3  }
0xc: {  	[smem:$0x3FB1] =	sst s4  }
0xd: {  	[smem:$0x3FB2] =	sst s5  }
0xe: {  	[smem:$0x3FB3] =	sst s6  }
0xf: {  	[smem:$0x3FB4] =	sst s7  }
0x10: {  	[smem:$0x3FB5] =	sst s8  }
0x11: {  	[smem:$0x3FB6] =	sst s9;
	s0 =	simm.s32 @!p0 $0x0  }
0x12: {  	s1 =	sld [smem:$0x3F9C];
	s0 =	simm.s32 @p0 $0x1  }
0x13: {  	[smem:$0x3FB7] =	sst s0;
	s0 =	simm.s32 @!p1 $0x0  }
0x14: {  	s2 =	sld [smem:$0x3F9B];
	s0 =	simm.s32 @p1 $0x1  }
0x15: {  	[smem:$0x3FB8] =	sst s0;
	s0 =	simm.s32 @!p2 $0x0  }
0x16: {  	s3 =	sld [smem:$0x3FDB];
	s0 =	simm.s32 @p2 $0x1  }
0x17: {  	s4 =	simm.s32 $0x1BF5;
	[smem:$0x3FBA] =	sst s0  }
0x18: {  	s0 =	sld [smem:$0x3F9D];
	_ =	swait.ge [sflag:s4], $0x0  }
0x19: {  	s7 =	sld [smem:$0x3F9E]  }
0x1a: {  	s8 =	sadd.s32 $0xFFFFE003, lr  }
0x1b: {  	s9 =	sadd.s32 $0xFFFFFEF7, lr;
	s5 =	simm.s32 $0xFFFFFFFF;
	p2 =	slt.u32 s8, $0xFFFFF086  }
0x1c: {  	p1 =	slt.u32 s9, $0xF7A;
	s5 =	simm.s32 @!p2 $0x0  }
0x1d: {  	s5 =	simm.s32 @p1 $0x1;
	p0 =	seq.s32 s7, s2  }
0x1e: {  	s7 =	smul.u32 @!p0 $0xF7A, s2;
	p2 =	seq.s32 @!p0 s5, $0x0  }
0x1f: {  	s9 =	smul.u32 $0xF7A, s1;
	s8 =	simm.s32 @!p0 $0x1BF5;
	p2 =	por !p2, p0  }
0x20: {  	[sflag:s8] =	ssyncset.s32 @!p0 $0xFFFFF086;
	s6 =	sadd.s32 @!p0 s3, s7;
	s7 =	simm.s32 @!p0 $0x108  }
0x21: {  	s3 =	sadd.s32 s3, s9;
	s6 =	sadd.s32 @!p0 $0x88, s6;
	s7 =	simm.s32 @p2 $0x1082  }
0x22: {  	[simem:s7], [sflag:s8] =	dma.local @!p0 [hbm:s6], $0xF7A  }
0x23: {  	s9 =	sor.u32 $0xD0000000, s2;
	s6 =	simm.s32 $0x108;
	_ =	swait.ge @!p0 [sflag:s8], $0x0  }
0x24: {  	s3 =	sadd.s32 $0x88, s3;
	s6 =	simm.s32 @!p1 $0x1082;
	[sflag:s4] =	ssyncset.s32 $0xFFFFF086  }
0x25: {  	[simem:s6], [sflag:s4] =	dma.local [hbm:s3], $0xF7A  }
0x26: {  	[smem:$0x3F9E] =	sst s1;
	(tag) =	ssettag s2;
	_ =	strace s9  }
0x27: {  	s1 =	sld [smem:$0x3FAE]  }
0x28: {  	s2 =	sld [smem:$0x3FAF]  }
0x29: {  	s4 =	sld [smem:$0x3FB1]  }
0x2a: {  	p0 =	seq.s32 s5, $0x0;
	s5 =	sld [smem:$0x3FB2]  }
0x2b: {  	s6 =	sld [smem:$0x3FB3]  }
0x2c: {  	s7 =	sld [smem:$0x3FB4]  }
0x2d: {  	s3 =	simm.s32 $0x108;
	s8 =	sld [smem:$0x3FB5]  }
0x2e: {  	s3 =	simm.s32 @!p0 $0x1082;
	s9 =	sld [smem:$0x3FB6]  }
0x2f: {  	lr =	sadd.s32 s0, s3;
	s0 =	sld [smem:$0x3FAD]  }
0x30: {  	s3 =	sld [smem:$0x3FB0]  }
0x31: {  	[smem:$0x3FB9] =	sst s10  }
0x32: {  	s10 =	sld [smem:$0x3FB7];
	_ =	sdelay $0x3  }
0x33: {  	p0 =	seq.s32 s10, $0x1;
	s10 =	sld [smem:$0x3FB9];
	_ =	sdelay $0x3  }
0x34: {  	[smem:$0x3FB9] =	sst s10  }
0x35: {  	s10 =	sld [smem:$0x3FB8];
	_ =	sdelay $0x3  }
0x36: {  	p1 =	seq.s32 s10, $0x1;
	s10 =	sld [smem:$0x3FB9];
	_ =	sdelay $0x3  }
0x37: {  	[smem:$0x3FB9] =	sst s10  }
0x38: {  	s10 =	sld [smem:$0x3FBA]  }
0x39: {  	_ = 	snop;
	(pc) =	sbr.ind lr, $3  }
0x3a: {  	_ = 	snop  }
0x3b: {  	_ = 	snop  }
0x3c: {  	p2 =	seq.s32 s10, $0x1;
	s10 =	sld [smem:$0x3FB9]  }
0x3d: {  	_ =	shalt  }
0x3e: {  	_ =	shalt  }
0x3f: {  	_ =	shalt  }
0x40: {  	_ =	shalt  }
0x41: {  	_ =	shalt  }
0x42: {  	_ =	shalt  }
0x43: {  	_ =	shalt  }
0x44: {  	_ =	shalt  }
0x45: {  	_ =	shalt  }
0x46: {  	_ =	shalt  }
0x47: {  	_ =	shalt  }
0x48: {  	_ =	shalt  }
0x49: {  	_ =	shalt  }
0x4a: {  	_ =	shalt  }
0x4b: {  	_ =	shalt  }
0x4c: {  	_ =	shalt  }
0x4d: {  	_ =	shalt  }
0x4e: {  	_ =	shalt  }
0x4f: {  	_ =	shalt  }
0x50: {  	_ =	shalt  }
0x51: {  	_ =	shalt  }
0x52: {  	_ =	shalt  }
0x53: {  	_ =	shalt  }
0x54: {  	_ =	shalt  }
0x55: {  	_ =	shalt  }
0x56: {  	_ =	shalt  }
0x57: {  	_ =	shalt  }
0x58: {  	_ =	shalt  }
0x59: {  	_ =	shalt  }
0x5a: {  	_ =	shalt  }
0x5b: {  	_ =	shalt  }
0x5c: {  	_ =	shalt  }
0x5d: {  	_ =	shalt  }
0x5e: {  	_ =	shalt  }
0x5f: {  	_ =	shalt  }
0x60: {  	_ =	shalt  }
0x61: {  	_ =	shalt  }
0x62: {  	_ =	shalt  }
0x63: {  	_ =	shalt  }
0x64: {  	_ =	shalt  }
0x65: {  	_ =	shalt  }
0x66: {  	_ =	shalt  }
0x67: {  	_ =	shalt  }
0x68: {  	_ =	shalt  }
0x69: {  	_ =	shalt  }
0x6a: {  	_ =	shalt  }
0x6b: {  	_ =	shalt  }
0x6c: {  	_ =	shalt  }
0x6d: {  	_ =	shalt  }
0x6e: {  	_ =	shalt  }
0x6f: {  	_ =	shalt  }
0x70: {  	_ =	shalt  }
0x71: {  	_ =	shalt  }
0x72: {  	_ =	shalt  }
0x73: {  	_ =	shalt  }
0x74: {  	_ =	shalt  }
0x75: {  	_ =	shalt  }
0x76: {  	_ =	shalt  }
0x77: {  	_ =	shalt  }
0x78: {  	_ =	shalt  }
0x79: {  	_ =	shalt  }
0x7a: {  	_ =	shalt  }
0x7b: {  	_ =	shalt  }
0x7c: {  	_ =	shalt  }
0x7d: {  	_ =	shalt  }
0x7e: {  	_ =	shalt  }
0x7f: {  	_ =	shalt  }
0x80: {  	_ =	shalt  }
0x81: {  	_ =	shalt  }
0x82: {  	_ =	shalt  }
0x83: {  	_ =	shalt  }
0x84: {  	_ =	shalt  }
0x85: {  	_ =	shalt  }
0x86: {  	_ =	shalt  }
0x87: {  	_ =	shalt  }
.Lfunc_end0:
.L_simem_size_0:
called_computation_lowered:
.L_overlay_start_0:
0x88: {  	s2 =	sld [smem:$0x3FD9]  }
0x89: {  	s3 =	sld [smem:$0x3FFE];
	_ =	sdelay $0x1  }
0x8a: {  	s1 =	srdreg.scid  }
0x8b: {  	s0 =	sand.u32 $0x1, s1  }
0x8c: {  	s17 =	sshll.u32 s0, $0xA;
	s2 =	sadd.s32 s3, s2  }
0x8d: {  	s2 =	sadd.s32 s2, s17  }
0x8e: {  	[smem:$0x3FC5] =	sst s2  }
0x8f: {  	_ = 	snop  }
0x90: {  	s2 =	sld [smem:$0x3FC8]  }
0x91: {  	s18 =	sld [smem:$0x3FD0];
	(tm) =	ssettm $0x1  }
0x92: {  	s4 =	sld [smem:$0x3FFB];
	_ =	sdelay $0x3  }
0x93: {  	_ =	strace s4  }
0x94: {  	s4 =	sld [smem:$0x3FFC];
	_ =	sdelay $0x3  }
0x95: {  	_ =	strace s4  }
0x96: {  	s4 =	sld [smem:$0x3FFD];
	_ =	sdelay $0x3  }
0x97: {  	_ =	strace s4  }
0x98: {  	_ =	strace $0x8FFFFFFF  }
0x99: {  	s19 =	sld [smem:$0x3FDB];
	_ =	sdelay $0x1  }
0x9a: {  	s5 =	simm.s32 $_scs_section_size  }
0x9b: {  	s6 =	simm.s32 $_size__tile_overlayer_lowered;
	s7 =	simm.s32 $_tile_overlayer_lowered  }
0x9c: {  	s22 =	simm.s32 $0x1BFF;
	s21 =	sshll.u32 s7, $0x1;
	s4 =	sadd.s32 s5, s19  }
0x9d: {  	s8 =	simm.s32 $0x0;
	s20 =	sshll.u32 s6, $0x1;
	s6 =	sadd.s32 s21, s4  }
0x9e: {  	[timem:s8], [sflag:s22] =	dma.local [hbm:s6], s20  }
0x9f: {  	_ =	swait.ge [sflag:s22], s20  }
0xa0: {  	s5 =	ssub.s32 $0x0, s20;
	[sflag:s22] =	ssyncset.done $0x0  }
0xa1: {  	[sflag:s22] =	ssyncadd.s32 s5;
	_ =	sdelay $0x1  }
0xa2: {  	s23 =	simm.s32 $0x1B8B  }
0xa3: {  	_ =	swait.ge [sflag:s23], $0x1  }
0xa4: {  	[sflag:s23] =	ssyncset.done $0x0  }
0xa5: {  	s25 =	simm.s32 $0x1B8E;
	s24 =	sld [smem:$0x3FFE];
	[sflag:s23] =	ssyncadd.s32 $0xFFFFFFFF  }
0xa6: {  	s26 =	simm.s32 $execute0_lowered;
	[smem:$0x3FD2] =	sst s25  }
0xa7: {  	s6 =	sshll.u32 s26, $0x1;
	_ =	strace $0x80000046;
	[dreg:$0x1] =	wrdreg $0xFFFFFFFF  }
0xa8: {  	s28 =	simm.s32 $_size_execute0_lowered;
	s4 =	sadd.s32 s4, s6;
	[dreg:$0x0] =	wrdreg $0x0  }
0xa9: {  	s6 =	sshll.u32 s28, $0x1;
	[dreg:$0x2] =	wrdreg s4  }
0xaa: {  	[dreg:$0x3] =	wrdreg s6  }
0xab: {  	[dreg:$0x4] =	wrdreg $0xC0  }
0xac: {  	_ =	task [dreg:s8], $0x5FFFF  }
0xad: {  	[dreg:$0x1] =	wrdreg $0xFFFFFFFF  }
0xae: {  	[dreg:$0x0] =	wrdreg $0x60  }
0xaf: {  	[dreg:$0x2] =	wrdreg s24  }
0xb0: {  	[dreg:$0x3] =	wrdreg s2  }
0xb1: {  	[dreg:$0x4] =	wrdreg s18  }
0xb2: {  	[dreg:$0x5] =	wrdreg $0x9  }
0xb3: {  	_ =	task.clear_ibuf [dreg:s8], $0x6FFFF;
	_ =	strace $0x90000046  }
0xb4: {  	s29 =	simm.s32 $0x9;
	_ =	strace $0x80000048  }
0xb5: {  	_ =	swait.ge [sflag:s29], $0x1  }
0xb6: {  	[sflag:s29] =	ssyncadd.s32 $0xFFFFFFFF  }
0xb7: {  	_ =	strace $0x90000048  }
0xb8: {  	_ =	sfence  }
0xb9: {  	s30 =	sld [smem:$0x0];
	_ =	sdelay $0x2  }
0xba: {  	s31 =	sshll.u32 s1, $0xD;
	s1 =	sshrl.u32 s1, $0x2  }
0xbb: {  	s3 =	sand.u32 $0x4000, s31;
	s1 =	sadd.s32 s1, s30  }
0xbc: {  	s0 =	sor.u32 s3, s0;
	s1 =	sshll.u32 s1, $0x11  }
0xbd: {  	s0 =	sor.u32 s1, s0  }
0xbe: {  	s0 =	sadd.s32 $0x8F2B, s0  }
0xbf: {  	[sflag:s0] =	ssyncadd.remote.s32 $0x1  }
0xc0: {  	_ =	sfence.sel $0xFFFF  }
0xc1: {  	[dreg:$0x0] =	wrdreg $0xFFFFFFFF;
	(pc) =	sbr.abs _section_cstart, $3  }
0xc2: {  	[dreg:$0x1] =	wrdreg $0xFFFFFFFF  }
0xc3: {  	_ =	task.clear_ibuf [dreg:s8], $0x2FFFF;
	_ =	strace $0x9FFFFFFF  }
0xc4: {  	(tm) =	ssettm $0x7FFFFFFF  }
0xc5: {  	_ =	shalt  }
tec
execute0_lowered:
.L_overlay_start_1:
0x0: {  	(tag) =	ssettag $0x1  }
0x1: {  	s4 =	rddreg [dreg:$0x0]  }
0x2: {  	s1 =	srdreg.scid;
	s2 =	rddreg [dreg:$0x1]  }
0x3: {  	s0 =	stileid.u32;
	s7 =	rddreg [dreg:$0x2]  }
0x4: {  	s3 =	simm.s32 $0x0;
	s11 =	simm.s32 $0x3400;
	s12 =	simm.s32 $0x4100  }
0x5: {  	s13 =	simm.s32 $0x1A00;
	s14 =	simm.s32 $0x4E00;
	s15 =	simm.s32 $0x2700  }
0x6: {  	s16 =	simm.s32 $0x5B00;
	s17 =	simm.s32 $0x6800;
	s18 =	simm.s32 $0x8200  }
0x7: {  	s19 =	simm.s32 $0x1;
	s5 =	sand.u32 $0x1, s1;
	s31 =	sshll.u32 s0, $0x1  }
0x8: {  	s20 =	simm.s32 $0x8300;
	s21 =	simm.s32 $0x0;
	s8 =	sor.u32 s5, s31  }
0x9: {  	s1 =	rddreg [dreg:$0x3];
	s5 =	ssub.s32 $0x2, s5;
	s6 =	smul.u32 $0x680, s8  }
0xa: {  	[smem:$0x7FF] =	sst s3;
	s9 =	smul.u32 $0x340, s8;
	s10 =	sshrl.u32 s5, $0x1  }
0xb: {  	_ =	strace $0x80000047;
	s8 =	sshll.u32 s8, $0x6;
	s10 =	ssub.s32 s5, s10  }
0xc: {  	s7 =	sadd.s32 s7, s8;
	s6 =	sadd.s32 s6, s4;
	s9 =	sadd.s32 s9, s4  }
0xd: {  	s4 =	sadd.s32 $0x13E00, s4;
	s8 =	smax.u32 s10, $0x1;
	s10 =	simm.s32 $0xD00  }
0xe: {  	s5 =	sadd.s32 $0x600, s6;
	s6 =	sadd.s32 $0xD600, s9;
	s9 =	simm.s32 $0x2  }
.LBB2_1:
0xf: {  	[tilespmem:s3], [sflag:$0x2] =	stream.linear.gather [hbm4b:s5+s3], $0x3400, $0x38;
	[tilespmem:$0x8500] =	vst v63  }
0x10: {  	_ =	swait.ge [sflag:s9], $0x3400  }
0x11: {  	[sflag:s9] =	ssyncset.done $0x0  }
0x12: {  	s23 =	simm.s32 $0x100;
	[sflag:s9] =	ssyncadd.s32 $0xFFFFCC00  }
0x13: {  	v1 =	vld [tilespmem:s23+$0xFFFFFF00]  }
0x14: {  	v0 =	vld [tilespmem:s23+$0xFFFFFFF0]  }
0x15: {  	v2 =	vld [tilespmem:s23+$0xFFFFFF10]  }
0x16: {  	s22 =	simm.s32 $0x0  }
0x17: {  	s22 =	smul.u32 $0x7A1400, s22;
	v3 =	vld [tilespmem:s23+$0xFFFFFF20]  }
0x18: {  	s24 =	sand.u32 $0x380, s3;
	v5 =	vld [tilespmem:s23+$0xFFFFFF30];
	v4 =	vshll.u32 v1, $0x3  }
0x19: {  	s22 =	sor.u32 s24, s22;
	v8 =	vld [tilespmem:s23+$0xFFFFFF40];
	v6 =	vshll.u32 v0, $0x3;
	v0 =	vand.u32 $0x7F, v0;
	v4 =	vand.u32 $0xFFFFFC00, v4  }
0x1a: {  	v1 =	vand.u32 $0x7F, v1;
	v7 =	vshll.u32 v2, $0x3;
	v4 =	vadd.s32 s22, v4  }
0x1b: {  	v2 =	vand.u32 $0x7F, v2;
	v7 =	vand.u32 $0xFFFFFC00, v7;
	v4 =	vor.u32 v1, v4  }
0x1c: {  	v9 =	vld [tilespmem:s23+$0xFFFFFF50];
	v1 =	vand.u32 $0xFFFFFC00, v6;
	v6 =	vadd.s32 s22, v7;
	v7 =	vshll.u32 v3, $0x3  }
0x1d: {  	v10 =	vld [tilespmem:s23+$0xFFFFFF60];
	v2 =	vor.u32 v2, v6;
	v6 =	vand.u32 $0xFFFFFC00, v7;
	v7 =	vshll.u32 v5, $0x3  }
0x1e: {  	v12 =	vld [tilespmem:s23+$0xFFFFFF70];
	v11 =	vshll.u32 v8, $0x3;
	v3 =	vand.u32 $0x7F, v3;
	v7 =	vand.u32 $0xFFFFFC00, v7  }
0x1f: {  	v5 =	vand.u32 $0x7F, v5;
	v6 =	vadd.s32 s22, v6;
	v7 =	vadd.s32 s22, v7  }
0x20: {  	v3 =	vor.u32 v3, v6;
	v6 =	vand.u32 $0xFFFFFC00, v11;
	v5 =	vor.u32 v5, v7  }
0x21: {  	v11 =	vld [tilespmem:s23+$0xFFFFFF80];
	v6 =	vadd.s32 s22, v6;
	v7 =	vand.u32 $0x7F, v8;
	v8 =	vshll.u32 v9, $0x3  }
0x22: {  	v13 =	vld [tilespmem:s23+$0xFFFFFF90];
	v6 =	vor.u32 v7, v6;
	v7 =	vand.u32 $0xFFFFFC00, v8;
	v8 =	vshll.u32 v10, $0x3  }
0x23: {  	v15 =	vld [tilespmem:s23+$0xFFFFFFA0];
	v14 =	vshll.u32 v12, $0x3;
	v9 =	vand.u32 $0x7F, v9;
	v8 =	vand.u32 $0xFFFFFC00, v8  }
0x24: {  	v10 =	vand.u32 $0x7F, v10;
	v7 =	vadd.s32 s22, v7;
	v8 =	vadd.s32 s22, v8  }
0x25: {  	v7 =	vor.u32 v9, v7;
	v9 =	vand.u32 $0xFFFFFC00, v14;
	v8 =	vor.u32 v10, v8  }
0x26: {  	v14 =	vld [tilespmem:s23+$0xFFFFFFB0];
	v9 =	vadd.s32 s22, v9;
	v10 =	vand.u32 $0x7F, v12;
	v12 =	vshll.u32 v11, $0x3  }
0x27: {  	v16 =	vld [tilespmem:s23+$0xFFFFFFC0];
	v9 =	vor.u32 v10, v9;
	v10 =	vand.u32 $0xFFFFFC00, v12;
	v12 =	vshll.u32 v13, $0x3  }
0x28: {  	v18 =	vld [tilespmem:s23+$0xFFFFFFD0];
	v17 =	vshll.u32 v15, $0x3;
	v11 =	vand.u32 $0x7F, v11;
	v12 =	vand.u32 $0xFFFFFC00, v12  }
0x29: {  	v13 =	vand.u32 $0x7F, v13;
	v10 =	vadd.s32 s22, v10;
	v12 =	vadd.s32 s22, v12  }
0x2a: {  	v10 =	vor.u32 v11, v10;
	v11 =	vor.u32 v13, v12;
	v12 =	vand.u32 $0xFFFFFC00, v17  }
0x2b: {  	v56 =	vld [tilespmem:s23+$0xFFFFFFE0];
	v13 =	vand.u32 $0x7F, v15;
	v15 =	vshll.u32 v14, $0x3;
	v12 =	vadd.s32 s22, v12  }
0x2c: {  	v19 =	vld [tilespmem:s23+$0x0];
	v12 =	vor.u32 v13, v12;
	v13 =	vand.u32 $0xFFFFFC00, v15;
	v15 =	vshll.u32 v16, $0x3  }
0x2d: {  	v21 =	vld [tilespmem:s23+$0x10];
	v20 =	vshll.u32 v18, $0x3;
	v14 =	vand.u32 $0x7F, v14;
	v15 =	vand.u32 $0xFFFFFC00, v15  }
0x2e: {  	v16 =	vand.u32 $0x7F, v16;
	v13 =	vadd.s32 s22, v13;
	v15 =	vadd.s32 s22, v15  }
0x2f: {  	v13 =	vor.u32 v14, v13;
	v14 =	vor.u32 v16, v15;
	v15 =	vand.u32 $0xFFFFFC00, v20  }
0x30: {  	v58 =	vld [tilespmem:s23+$0x20];
	v57 =	vshll.u32 v56, $0x3;
	[tilespmem:s23+$0xFFFFFF00] =	vst v4;
	v4 =	vadd.s32 s22, v15;
	v15 =	vand.u32 $0x7F, v18  }
0x31: {  	v59 =	vld [tilespmem:s23+$0x30];
	[tilespmem:s23+$0xFFFFFF10] =	vst v2;
	v2 =	vor.u32 v15, v4;
	v4 =	vand.u32 $0xFFFFFC00, v57;
	v15 =	vshll.u32 v19, $0x3  }
0x32: {  	v61 =	vld [tilespmem:s23+$0x40];
	v60 =	vshll.u32 v21, $0x3;
	[tilespmem:s23+$0xFFFFFF20] =	vst v3;
	v3 =	vadd.s32 s22, v4;
	v15 =	vand.u32 $0xFFFFFC00, v15  }
0x33: {  	[tilespmem:s23+$0xFFFFFF30] =	vst v5;
	v4 =	vand.u32 $0x7F, v56;
	v5 =	vadd.s32 s22, v15;
	v15 =	vand.u32 $0x7F, v19  }
0x34: {  	[tilespmem:s23+$0xFFFFFF40] =	vst v6;
	v3 =	vor.u32 v4, v3;
	v4 =	vor.u32 v15, v5;
	v5 =	vand.u32 $0xFFFFFC00, v60  }
0x35: {  	v6 =	vand.u32 $0x7F, v21;
	[tilespmem:s23+$0xFFFFFF50] =	vst v7;
	v7 =	vshll.u32 v58, $0x3;
	v15 =	vld [tilespmem:s23+$0x50];
	v5 =	vadd.s32 s22, v5  }
0x36: {  	[tilespmem:s23+$0xFFFFFF60] =	vst v8;
	v8 =	vld [tilespmem:s23+$0x60];
	v5 =	vor.u32 v6, v5;
	v6 =	vand.u32 $0xFFFFFC00, v7;
	v7 =	vshll.u32 v59, $0x3  }
0x37: {  	v62 =	vshll.u32 v61, $0x3;
	[tilespmem:s23+$0xFFFFFF70] =	vst v9;
	v9 =	vand.u32 $0x7F, v58;
	v7 =	vand.u32 $0xFFFFFC00, v7  }
0x38: {  	v63 =	vld [tilespmem:s23+$0x70];
	[tilespmem:s23+$0xFFFFFF80] =	vst v10;
	v10 =	vand.u32 $0x7F, v59;
	v6 =	vadd.s32 s22, v6;
	v7 =	vadd.s32 s22, v7  }
0x39: {  	[tilespmem:s23+$0xFFFFFF90] =	vst v11;
	v6 =	vor.u32 v9, v6;
	v9 =	vor.u32 v10, v7;
	v7 =	vand.u32 $0xFFFFFC00, v62  }
0x3a: {  	[tilespmem:s23+$0xFFFFFFA0] =	vst v12;
	v12 =	vld [tilespmem:s23+$0x80];
	v10 =	vand.u32 $0x7F, v61;
	v11 =	vshll.u32 v15, $0x3;
	v7 =	vadd.s32 s22, v7  }
0x3b: {  	[tilespmem:s23+$0xFFFFFFB0] =	vst v13;
	v13 =	vld [tilespmem:s23+$0x90];
	v10 =	vor.u32 v10, v7;
	v7 =	vand.u32 $0xFFFFFC00, v11;
	v11 =	vshll.u32 v8, $0x3  }
0x3c: {  	[tilespmem:s23+$0xFFFFFFC0] =	vst v14;
	v14 =	vand.u32 $0x7F, v15;
	v8 =	vand.u32 $0x7F, v8;
	v11 =	vand.u32 $0xFFFFFC00, v11  }
0x3d: {  	[tilespmem:s23+$0xFFFFFFD0] =	vst v2;
	v15 =	vld [tilespmem:s23+$0xA0];
	v7 =	vadd.s32 s22, v7;
	v2 =	vadd.s32 s22, v11;
	v11 =	vshll.u32 v63, $0x3  }
0x3e: {  	[tilespmem:s23+$0xFFFFFFE0] =	vst v3;
	v3 =	vor.u32 v14, v7;
	v14 =	vor.u32 v8, v2;
	v2 =	vand.u32 $0xFFFFFC00, v11  }
0x3f: {  	[tilespmem:s23+$0x0] =	vst v4;
	v7 =	vand.u32 $0x7F, v63;
	v8 =	vshll.u32 v12, $0x3;
	v4 =	vadd.s32 s22, v2;
	v2 =	vld [tilespmem:s23+$0xB0]  }
0x40: {  	[tilespmem:s23+$0x10] =	vst v5;
	v5 =	vand.u32 $0xFFFFFC00, v8;
	v8 =	vshll.u32 v13, $0x3;
	v7 =	vor.u32 v7, v4;
	v4 =	vld [tilespmem:s23+$0xC0]  }
0x41: {  	[tilespmem:s23+$0x20] =	vst v6;
	v11 =	vand.u32 $0x7F, v12;
	v6 =	vadd.s32 s22, v5;
	v5 =	vand.u32 $0xFFFFFC00, v8  }
0x42: {  	[tilespmem:s23+$0x30] =	vst v9;
	v12 =	vand.u32 $0x7F, v13;
	v13 =	vshll.u32 v15, $0x3;
	v8 =	vadd.s32 s22, v5;
	v5 =	vld [tilespmem:s23+$0xD0]  }
0x43: {  	[tilespmem:s23+$0x40] =	vst v10;
	v10 =	vand.u32 $0x7F, v15;
	v9 =	vor.u32 v11, v6;
	v6 =	vand.u32 $0xFFFFFC00, v13  }
0x44: {  	[tilespmem:s23+$0x50] =	vst v3;
	v8 =	vor.u32 v12, v8;
	v3 =	vadd.s32 s22, v6;
	v6 =	vld [tilespmem:s23+$0xE0];
	v11 =	vshll.u32 v2, $0x3  }
0x45: {  	s25 =	simm.s32 $0x1;
	s26 =	simm.s32 $0x0;
	s24 =	simm.s32 $0x100;
	[tilespmem:s23+$0x60] =	vst v14;
	v10 =	vor.u32 v10, v3;
	v3 =	vld [tilespmem:s23+$0xF0];
	v12 =	vand.u32 $0xFFFFFC00, v11;
	v11 =	vshll.u32 v4, $0x3  }
.LBB2_2:
0x46: {  	p0 =	sne.s32 s25, $0x19;
	[tilespmem:s23+$0x70] =	vst v7;
	v7 =	vadd.s32 s22, v12;
	v2 =	vand.u32 $0x7F, v2;
	v11 =	vand.u32 $0xFFFFFC00, v11  }
0x47: {  	v4 =	vand.u32 $0x7F, v4;
	[tilespmem:s23+$0x80] =	vst v9;
	v9 =	vadd.s32 s22, v11;
	v11 =	vshll.u32 v5, $0x3  }
0x48: {  	v2 =	vor.u32 v2, v7;
	s23 =	sadd.s32 $0x200, s23;
	[tilespmem:s24+$0x90] =	vst v8;
	v4 =	vor.u32 v4, v9;
	v7 =	vand.u32 $0xFFFFFC00, v11  }
0x49: {  	v5 =	vand.u32 $0x7F, v5;
	v8 =	vld [tilespmem:s23+$0xFFFFFF00];
	[tilespmem:s24+$0xA0] =	vst v10;
	v7 =	vadd.s32 s22, v7;
	v9 =	vshll.u32 v6, $0x3  }
0x4a: {  	v10 =	vld [tilespmem:s23+$0xFFFFFFF0];
	[tilespmem:s24+$0xB0] =	vst v2;
	v2 =	vor.u32 v5, v7;
	v5 =	vand.u32 $0xFFFFFC00, v9;
	v7 =	vshll.u32 v3, $0x3  }
0x4b: {  	v9 =	vld [tilespmem:s23+$0xFFFFFF10];
	[tilespmem:s24+$0xC0] =	vst v4;
	v4 =	vadd.s32 s22, v5;
	v5 =	vand.u32 $0x7F, v6;
	v6 =	vand.u32 $0xFFFFFC00, v7  }
0x4c: {  	s28 =	sshrl.u32 s25, $0x3;
	v3 =	vand.u32 $0x7F, v3;
	[tilespmem:s24+$0xD0] =	vst v2;
	v2 =	vor.u32 v5, v4;
	v4 =	vadd.s32 s22, v6  }
0x4d: {  	v1 =	vadd.s32 s22, v1;
	s26 =	sadd.s32 $0x80, s26;
	s28 =	smul.u32 $0x7A1400, s28;
	v5 =	vld [tilespmem:s23+$0xFFFFFF20];
	[tilespmem:s24+$0xE0] =	vst v2;
	v2 =	vor.u32 v3, v4  }
0x4e: {  	v1 =	vor.u32 v0, v1;
	s22 =	sand.u32 $0x380, s26;
	v3 =	vshll.u32 v8, $0x3;
	v4 =	vld [tilespmem:s23+$0xFFFFFF30];
	[tilespmem:s24+$0xF0] =	vst v2  }
0x4f: {  	s22 =	sor.u32 s22, s28;
	v2 =	vand.u32 $0xFFFFFC00, v3;
	v3 =	vshll.u32 v10, $0x3;
	v0 =	vand.u32 $0x7F, v10;
	[tilespmem:s24+$0xFFFFFFF0] =	vst v1;
	s24 =	smov.u32 s23  }
0x50: {  	v1 =	vadd.s32 s22, v2;
	v2 =	vand.u32 $0x7F, v8;
	v6 =	vshll.u32 v9, $0x3;
	v7 =	vld [tilespmem:s23+$0xFFFFFF40]  }
0x51: {  	v2 =	vor.u32 v2, v1;
	v6 =	vand.u32 $0xFFFFFC00, v6;
	v1 =	vand.u32 $0xFFFFFC00, v3  }
0x52: {  	v3 =	vadd.s32 s22, v6;
	v6 =	vand.u32 $0x7F, v9;
	v8 =	vshll.u32 v5, $0x3;
	v9 =	vld [tilespmem:s23+$0xFFFFFF50]  }
0x53: {  	v3 =	vor.u32 v6, v3;
	v6 =	vand.u32 $0xFFFFFC00, v8;
	v8 =	vshll.u32 v4, $0x3;
	v10 =	vld [tilespmem:s23+$0xFFFFFF60]  }
0x54: {  	v5 =	vand.u32 $0x7F, v5;
	v6 =	vadd.s32 s22, v6;
	v8 =	vand.u32 $0xFFFFFC00, v8  }
0x55: {  	v4 =	vand.u32 $0x7F, v4;
	v8 =	vadd.s32 s22, v8;
	v11 =	vshll.u32 v7, $0x3;
	v12 =	vld [tilespmem:s23+$0xFFFFFF70]  }
0x56: {  	v5 =	vor.u32 v5, v6;
	v4 =	vor.u32 v4, v8;
	v6 =	vand.u32 $0xFFFFFC00, v11  }
0x57: {  	v7 =	vand.u32 $0x7F, v7;
	v6 =	vadd.s32 s22, v6;
	v8 =	vshll.u32 v9, $0x3;
	v11 =	vld [tilespmem:s23+$0xFFFFFF80]  }
0x58: {  	v6 =	vor.u32 v7, v6;
	v7 =	vand.u32 $0xFFFFFC00, v8;
	v8 =	vshll.u32 v10, $0x3;
	v13 =	vld [tilespmem:s23+$0xFFFFFF90]  }
0x59: {  	v9 =	vand.u32 $0x7F, v9;
	v7 =	vadd.s32 s22, v7;
	v8 =	vand.u32 $0xFFFFFC00, v8  }
0x5a: {  	v10 =	vand.u32 $0x7F, v10;
	v8 =	vadd.s32 s22, v8;
	v14 =	vshll.u32 v12, $0x3;
	v15 =	vld [tilespmem:s23+$0xFFFFFFA0]  }
0x5b: {  	v7 =	vor.u32 v9, v7;
	v8 =	vor.u32 v10, v8;
	v9 =	vand.u32 $0xFFFFFC00, v14  }
0x5c: {  	v10 =	vand.u32 $0x7F, v12;
	v9 =	vadd.s32 s22, v9;
	v12 =	vshll.u32 v11, $0x3;
	v14 =	vld [tilespmem:s23+$0xFFFFFFB0]  }
0x5d: {  	v9 =	vor.u32 v10, v9;
	v10 =	vand.u32 $0xFFFFFC00, v12;
	v12 =	vshll.u32 v13, $0x3;
	v16 =	vld [tilespmem:s23+$0xFFFFFFC0]  }
0x5e: {  	v11 =	vand.u32 $0x7F, v11;
	v10 =	vadd.s32 s22, v10;
	v12 =	vand.u32 $0xFFFFFC00, v12  }
0x5f: {  	v13 =	vand.u32 $0x7F, v13;
	v12 =	vadd.s32 s22, v12;
	v17 =	vshll.u32 v15, $0x3;
	v18 =	vld [tilespmem:s23+$0xFFFFFFD0]  }
0x60: {  	v10 =	vor.u32 v11, v10;
	v11 =	vor.u32 v13, v12;
	v12 =	vand.u32 $0xFFFFFC00, v17  }
0x61: {  	v13 =	vand.u32 $0x7F, v15;
	v12 =	vadd.s32 s22, v12;
	v15 =	vshll.u32 v14, $0x3;
	v17 =	vld [tilespmem:s23+$0xFFFFFFE0]  }
0x62: {  	v12 =	vor.u32 v13, v12;
	v13 =	vand.u32 $0xFFFFFC00, v15;
	v15 =	vshll.u32 v16, $0x3;
	v19 =	vld [tilespmem:s23+$0x0]  }
0x63: {  	v14 =	vand.u32 $0x7F, v14;
	v13 =	vadd.s32 s22, v13;
	v15 =	vand.u32 $0xFFFFFC00, v15  }
0x64: {  	v16 =	vand.u32 $0x7F, v16;
	v15 =	vadd.s32 s22, v15;
	v20 =	vshll.u32 v18, $0x3;
	v21 =	vld [tilespmem:s23+$0x10]  }
0x65: {  	v13 =	vor.u32 v14, v13;
	v14 =	vor.u32 v16, v15;
	v15 =	vand.u32 $0xFFFFFC00, v20  }
0x66: {  	[tilespmem:s23+$0xFFFFFF00] =	vst v2;
	v2 =	vadd.s32 s22, v15;
	v15 =	vand.u32 $0x7F, v18;
	v16 =	vshll.u32 v17, $0x3;
	v18 =	vld [tilespmem:s23+$0x20]  }
0x67: {  	[tilespmem:s23+$0xFFFFFF10] =	vst v3;
	v2 =	vor.u32 v15, v2;
	v3 =	vand.u32 $0xFFFFFC00, v16;
	v15 =	vshll.u32 v19, $0x3;
	v16 =	vld [tilespmem:s23+$0x30]  }
0x68: {  	[tilespmem:s23+$0xFFFFFF20] =	vst v5;
	v3 =	vadd.s32 s22, v3;
	v5 =	vand.u32 $0x7F, v17;
	v15 =	vand.u32 $0xFFFFFC00, v15  }
0x69: {  	[tilespmem:s23+$0xFFFFFF30] =	vst v4;
	v4 =	vadd.s32 s22, v15;
	v15 =	vand.u32 $0x7F, v19;
	v17 =	vshll.u32 v21, $0x3;
	v19 =	vld [tilespmem:s23+$0x40]  }
0x6a: {  	v3 =	vor.u32 v5, v3;
	[tilespmem:s23+$0xFFFFFF40] =	vst v6;
	v4 =	vor.u32 v15, v4;
	v5 =	vand.u32 $0xFFFFFC00, v17  }
0x6b: {  	v6 =	vand.u32 $0x7F, v21;
	[tilespmem:s23+$0xFFFFFF50] =	vst v7;
	v5 =	vadd.s32 s22, v5;
	v7 =	vshll.u32 v18, $0x3;
	v15 =	vld [tilespmem:s23+$0x50]  }
0x6c: {  	[tilespmem:s23+$0xFFFFFF60] =	vst v8;
	v5 =	vor.u32 v6, v5;
	v6 =	vand.u32 $0xFFFFFC00, v7;
	v7 =	vshll.u32 v16, $0x3;
	v8 =	vld [tilespmem:s23+$0x60]  }
0x6d: {  	[tilespmem:s23+$0xFFFFFF70] =	vst v9;
	v6 =	vadd.s32 s22, v6;
	v9 =	vand.u32 $0x7F, v18;
	v7 =	vand.u32 $0xFFFFFC00, v7  }
0x6e: {  	[tilespmem:s23+$0xFFFFFF80] =	vst v10;
	v7 =	vadd.s32 s22, v7;
	v10 =	vand.u32 $0x7F, v16;
	v16 =	vshll.u32 v19, $0x3;
	v17 =	vld [tilespmem:s23+$0x70]  }
0x6f: {  	v6 =	vor.u32 v9, v6;
	[tilespmem:s23+$0xFFFFFF90] =	vst v11;
	v9 =	vor.u32 v10, v7;
	v7 =	vand.u32 $0xFFFFFC00, v16  }
0x70: {  	v10 =	vand.u32 $0x7F, v19;
	[tilespmem:s23+$0xFFFFFFA0] =	vst v12;
	v7 =	vadd.s32 s22, v7;
	v11 =	vshll.u32 v15, $0x3;
	v12 =	vld [tilespmem:s23+$0x80]  }
0x71: {  	[tilespmem:s23+$0xFFFFFFB0] =	vst v13;
	v10 =	vor.u32 v10, v7;
	v7 =	vand.u32 $0xFFFFFC00, v11;
	v11 =	vshll.u32 v8, $0x3;
	v13 =	vld [tilespmem:s23+$0x90]  }
0x72: {  	[tilespmem:s23+$0xFFFFFFC0] =	vst v14;
	v7 =	vadd.s32 s22, v7;
	v14 =	vand.u32 $0x7F, v15;
	v11 =	vand.u32 $0xFFFFFC00, v11  }
0x73: {  	v8 =	vand.u32 $0x7F, v8;
	[tilespmem:s23+$0xFFFFFFD0] =	vst v2;
	v2 =	vadd.s32 s22, v11;
	v11 =	vshll.u32 v17, $0x3;
	v15 =	vld [tilespmem:s23+$0xA0]  }
0x74: {  	[tilespmem:s23+$0xFFFFFFE0] =	vst v3;
	v3 =	vor.u32 v14, v7;
	v14 =	vor.u32 v8, v2;
	v2 =	vand.u32 $0xFFFFFC00, v11  }
0x75: {  	v7 =	vand.u32 $0x7F, v17;
	[tilespmem:s23+$0x0] =	vst v4;
	v4 =	vadd.s32 s22, v2;
	v8 =	vshll.u32 v12, $0x3;
	v2 =	vld [tilespmem:s23+$0xB0]  }
0x76: {  	[tilespmem:s23+$0x10] =	vst v5;
	v7 =	vor.u32 v7, v4;
	v5 =	vand.u32 $0xFFFFFC00, v8;
	v8 =	vshll.u32 v13, $0x3;
	v4 =	vld [tilespmem:s23+$0xC0]  }
.Ltmp0:
0x77: {  	v11 =	vand.u32 $0x7F, v12;
	[tilespmem:s23+$0x20] =	vst v6;
	v6 =	vadd.s32 s22, v5;
	v5 =	vand.u32 $0xFFFFFC00, v8;
	(pc) =	sbr.rel @p0 .LBB2_2-.Ltmp0, $4  }
0x78: {  	v12 =	vand.u32 $0x7F, v13;
	[tilespmem:s23+$0x30] =	vst v9;
	v8 =	vadd.s32 s22, v5;
	v13 =	vshll.u32 v15, $0x3;
	v5 =	vld [tilespmem:s23+$0xD0]  }
0x79: {  	v9 =	vor.u32 v11, v6;
	[tilespmem:s23+$0x40] =	vst v10;
	v8 =	vor.u32 v12, v8;
	v6 =	vand.u32 $0xFFFFFC00, v13  }
0x7a: {  	v10 =	vand.u32 $0x7F, v15;
	[tilespmem:s23+$0x50] =	vst v3;
	v3 =	vadd.s32 s22, v6;
	v11 =	vshll.u32 v2, $0x3;
	v6 =	vld [tilespmem:s23+$0xE0]  }
0x7b: {  	s25 =	sadd.s32 $0x1, s25;
	[tilespmem:s23+$0x60] =	vst v14;
	v10 =	vor.u32 v10, v3;
	v12 =	vand.u32 $0xFFFFFC00, v11;
	v11 =	vshll.u32 v4, $0x3;
	v3 =	vld [tilespmem:s23+$0xF0]  }
0x7c: {  	[tilespmem:s23+$0x70] =	vst v7;
	v7 =	vadd.s32 s22, v12;
	v2 =	vand.u32 $0x7F, v2  }
0x7d: {  	v11 =	vand.u32 $0xFFFFFC00, v11;
	[tilespmem:s23+$0x80] =	vst v9;
	v4 =	vand.u32 $0x7F, v4;
	v1 =	vadd.s32 s22, v1  }
0x7e: {  	v9 =	vadd.s32 s22, v11;
	v11 =	vshll.u32 v5, $0x3;
	[tilespmem:s24+$0x90] =	vst v8;
	v2 =	vor.u32 v2, v7  }
0x7f: {  	[tilespmem:s24+$0xA0] =	vst v10;
	v5 =	vand.u32 $0x7F, v5;
	v0 =	vor.u32 v0, v1;
	v7 =	vand.u32 $0xFFFFFC00, v11  }
0x80: {  	v4 =	vor.u32 v4, v9;
	[tilespmem:s24+$0xB0] =	vst v2;
	v7 =	vadd.s32 s22, v7;
	v8 =	vshll.u32 v6, $0x3  }
0x81: {  	[tilespmem:s24+$0xFFFFFFF0] =	vst v0;
	v2 =	vor.u32 v5, v7;
	v5 =	vand.u32 $0xFFFFFC00, v8;
	v7 =	vshll.u32 v3, $0x3  }
0x82: {  	[tilespmem:s24+$0xC0] =	vst v4;
	v4 =	vadd.s32 s22, v5;
	v5 =	vand.u32 $0x7F, v6;
	v6 =	vand.u32 $0xFFFFFC00, v7  }
0x83: {  	v3 =	vand.u32 $0x7F, v3;
	[tilespmem:s24+$0xD0] =	vst v2;
	v2 =	vor.u32 v5, v4;
	v4 =	vadd.s32 s22, v6  }
0x84: {  	[tilespmem:s24+$0xE0] =	vst v2;
	v2 =	vor.u32 v3, v4  }
0x85: {  	s29 =	simm.s32 $0x0;
	[tilespmem:s24+$0xF0] =	vst v2  }
0x86: {  	[tilespmem:s11], [sflag:$0x1] =	stream.indirect.gather [hbm4b:s2+s10], $0x1, s29, s10, $0xb8;
	[tilespmem:$0x8500] =	vst v63  }
0x87: {  	_ = 	snop  }
0x88: {  	[tilespmem:s12], [sflag:$0x1] =	stream.indirect.gather [hbm4b:s2+s10], $0x1, s10, s10, $0xb8;
	[tilespmem:$0x8500] =	vst v63  }
0x89: {  	_ = 	snop  }
0x8a: {  	[tilespmem:s14], [sflag:$0x1] =	stream.indirect.gather [hbm4b:s2+s10], $0x1, s13, s10, $0xb8;
	[tilespmem:$0x8500] =	vst v63  }
0x8b: {  	_ = 	snop  }
0x8c: {  	[tilespmem:s16], [sflag:$0x1] =	stream.indirect.gather [hbm4b:s2+s10], $0x1, s15, s10, $0xb8;
	[tilespmem:$0x8500] =	vst v63  }
0x8d: {  	_ = 	snop  }
0x8e: {  	[tilespmem:s17], [sflag:$0x2] =	stream.linear.gather [hbm4b:s6+s29], $0x1A00, $0x38;
	[tilespmem:$0x8500] =	vst v63  }
0x8f: {  	_ =	swait.ge [sflag:s9], $0x1A00  }
0x90: {  	[sflag:s9] =	ssyncset.done $0x0  }
0x91: {  	[sflag:s9] =	ssyncadd.s32 $0xFFFFE600  }
0x92: {  	[tilespmem:s18], [sflag:$0x2] =	stream.linear.gather [hbm4b:s4+s29], $0x100, $0x38;
	[tilespmem:$0x8500] =	vst v63  }
0x93: {  	_ =	swait.ge [sflag:s9], $0x100  }
0x94: {  	[sflag:s9] =	ssyncset.done $0x0  }
0x95: {  	[sflag:s9] =	ssyncadd.s32 $0xFFFFFF00  }
0x96: {  	_ =	swait.ge [sflag:s19], $0xD00  }
0x97: {  	[sflag:s19] =	ssyncset.done $0x0  }
0x98: {  	[sflag:s19] =	ssyncadd.s32 $0xFFFFF300  }
0x99: {  	_ =	swait.ge [sflag:s19], $0xD00  }
0x9a: {  	[sflag:s19] =	ssyncset.done $0x0  }
0x9b: {  	[sflag:s19] =	ssyncadd.s32 $0xFFFFF300  }
0x9c: {  	_ =	swait.ge [sflag:s19], $0xD00  }
0x9d: {  	[sflag:s19] =	ssyncset.done $0x0  }
0x9e: {  	[sflag:s19] =	ssyncadd.s32 $0xFFFFF300  }
0x9f: {  	_ =	swait.ge [sflag:s19], $0xD00  }
0xa0: {  	[sflag:s19] =	ssyncset.done $0x0  }
0xa1: {  	s30 =	simm.s32 $0x4000;
	[sflag:s19] =	ssyncadd.s32 $0xFFFFF300  }
0xa2: {  	v0 =	vld [tilespmem:s30+$0xFFFFF600]  }
0xa3: {  	v1 =	vld [tilespmem:s30+$0xFFFFF400];
	_ =	sdelay $0x1  }
0xa4: {  	v2 =	vld [tilespmem:s30+$0xFFFFF800];
	_ =	sdelay $0x1  }
0xa5: {  	v3 =	vld [tilespmem:s30+$0xFFFFFA00]  }
0xa6: {  	v0 =	vadd.f32 v0, v1  }
0xa7: {  	v1 =	vld [tilespmem:s30+$0xFFFFFC00]  }
0xa8: {  	v0 =	vadd.f32 v2, v0  }
0xa9: {  	v2 =	vld [tilespmem:s30+$0xFFFFFE00]  }
0xaa: {  	v0 =	vadd.f32 v3, v0  }
0xab: {  	v3 =	vld [tilespmem:s30+$0x0]  }
0xac: {  	v0 =	vadd.f32 v1, v0  }
0xad: {  	v1 =	vld [tilespmem:s30+$0x200]  }
0xae: {  	v0 =	vadd.f32 v2, v0  }
0xaf: {  	v2 =	vld [tilespmem:s30+$0x400]  }
0xb0: {  	v0 =	vadd.f32 v3, v0  }
0xb1: {  	v3 =	vld [tilespmem:s30+$0x600]  }
0xb2: {  	v0 =	vadd.f32 v1, v0  }
0xb3: {  	v1 =	vld [tilespmem:s30+$0x800]  }
0xb4: {  	v0 =	vadd.f32 v2, v0  }
0xb5: {  	v2 =	vld [tilespmem:s30+$0xA00]  }
0xb6: {  	v0 =	vadd.f32 v3, v0  }
0xb7: {  	v3 =	vld [tilespmem:s30+$0xC00]  }
0xb8: {  	s31 =	sand.u32 $0x1F0, s29;
	v0 =	vadd.f32 v1, v0  }
0xb9: {  	v1 =	vld [tilespmem:s31+$0x4E00]  }
0xba: {  	v0 =	vadd.f32 v2, v0  }
0xbb: {  	v2 =	vld [tilespmem:s31+$0x5000]  }
0xbc: {  	v0 =	vadd.f32 v3, v0  }
0xbd: {  	v3 =	vld [tilespmem:s31+$0x5200]  }
0xbe: {  	v0 =	vadd.f32 v1, v0  }
0xbf: {  	v1 =	vld [tilespmem:s31+$0x5400]  }
0xc0: {  	v0 =	vadd.f32 v2, v0  }
0xc1: {  	v2 =	vld [tilespmem:s31+$0x5600]  }
0xc2: {  	v0 =	vadd.f32 v3, v0  }
0xc3: {  	v3 =	vld [tilespmem:s31+$0x5800]  }
0xc4: {  	v0 =	vadd.f32 v1, v0  }
0xc5: {  	v1 =	vld [tilespmem:s31+$0x5A00]  }
0xc6: {  	v0 =	vadd.f32 v2, v0  }
0xc7: {  	v2 =	vld [tilespmem:s31+$0x5C00]  }
0xc8: {  	v0 =	vadd.f32 v3, v0  }
0xc9: {  	v3 =	vld [tilespmem:s31+$0x5E00]  }
0xca: {  	v0 =	vadd.f32 v1, v0  }
0xcb: {  	v1 =	vld [tilespmem:s31+$0x6000]  }
0xcc: {  	v2 =	vadd.f32 v2, v0  }
0xcd: {  	v4 =	vld [tilespmem:s31+$0x6200]  }
0xce: {  	v5 =	vld [tilespmem:s31+$0x6600];
	v2 =	vadd.f32 v3, v2  }
0xcf: {  	s22 =	simm.s32 $0x7400;
	v3 =	vld [tilespmem:s31+$0x6400]  }
0xd0: {  	v6 =	vld [tilespmem:s22+$0xFFFFF400];
	v2 =	vadd.f32 v1, v2  }
0xd1: {  	v0 =	vld [tilespmem:$0x8200]  }
0xd2: {  	v7 =	vld [tilespmem:s22+$0xFFFFF600];
	v4 =	vadd.f32 v4, v2  }
0xd3: {  	v1 =	vld [tilespmem:$0x8210]  }
0xd4: {  	v8 =	vld [tilespmem:s22+$0xFFFFF800];
	v4 =	vadd.f32 v3, v4  }
0xd5: {  	v2 =	vld [tilespmem:$0x8220]  }
0xd6: {  	v9 =	vld [tilespmem:s22+$0xFFFFFA00];
	v6 =	vmul.f32 v6, v0;
	v5 =	vadd.f32 v5, v4  }
0xd7: {  	v3 =	vld [tilespmem:$0x8230]  }
0xd8: {  	v10 =	vld [tilespmem:s22+$0xFFFFFC00];
	v7 =	vmul.f32 v7, v1;
	v6 =	vadd.f32 v6, v5  }
0xd9: {  	v4 =	vld [tilespmem:$0x8240]  }
0xda: {  	v11 =	vld [tilespmem:s22+$0xFFFFFE00];
	v8 =	vmul.f32 v8, v2;
	v7 =	vadd.f32 v7, v6  }
0xdb: {  	v5 =	vld [tilespmem:$0x8250]  }
0xdc: {  	v12 =	vld [tilespmem:s22+$0x0];
	v9 =	vmul.f32 v9, v3;
	v8 =	vadd.f32 v8, v7  }
0xdd: {  	v6 =	vld [tilespmem:$0x8260]  }
0xde: {  	v13 =	vld [tilespmem:s22+$0x200];
	v10 =	vmul.f32 v10, v4;
	v9 =	vadd.f32 v9, v8  }
0xdf: {  	v7 =	vld [tilespmem:$0x8270]  }
0xe0: {  	v14 =	vld [tilespmem:s22+$0x400];
	v11 =	vmul.f32 v11, v5;
	v10 =	vadd.f32 v10, v9  }
0xe1: {  	v8 =	vld [tilespmem:$0x8280]  }
0xe2: {  	v15 =	vld [tilespmem:s22+$0x600];
	v12 =	vmul.f32 v12, v6;
	v11 =	vadd.f32 v11, v10  }
0xe3: {  	v9 =	vld [tilespmem:$0x8290]  }
0xe4: {  	v16 =	vld [tilespmem:s22+$0x800];
	v13 =	vmul.f32 v13, v7;
	v12 =	vadd.f32 v12, v11  }
0xe5: {  	v10 =	vld [tilespmem:$0x82A0]  }
0xe6: {  	v17 =	vld [tilespmem:s22+$0xA00];
	v14 =	vmul.f32 v14, v8;
	v13 =	vadd.f32 v13, v12  }
0xe7: {  	v11 =	vld [tilespmem:$0x82B0]  }
0xe8: {  	v12 =	vld [tilespmem:$0x82C0];
	v13 =	vadd.f32 v14, v13;
	v14 =	vmul.f32 v15, v9  }
0xe9: {  	v15 =	vld [tilespmem:s22+$0xC00]  }
0xea: {  	v13 =	vadd.f32 v14, v13;
	v14 =	vmul.f32 v16, v10;
	_ =	sdelay $0x1  }
0xeb: {  	v13 =	vadd.f32 v14, v13;
	v14 =	vmul.f32 v17, v11;
	_ =	sdelay $0x1  }
0xec: {  	v13 =	vadd.f32 v14, v13;
	v14 =	vmul.f32 v15, v12;
	_ =	sdelay $0x1  }
0xed: {  	v13 =	vadd.f32 v14, v13  }
0xee: {  	s23 =	simm.s32 $0x8300  }
0xef: {  	s24 =	simm.s32 $0x4010;
	[tilespmem:s23+$0x0] =	vst v13  }
0xf0: {  	v13 =	vld [tilespmem:s24+$0xFFFFF600]  }
0xf1: {  	s25 =	simm.s32 $0x10;
	s26 =	simm.s32 $0x20;
	v14 =	vld [tilespmem:s24+$0xFFFFF400]  }
.LBB2_4:
0xf2: {  	p0 =	sne.s32 s26, $0x1F0  }
0xf3: {  	v15 =	vld [tilespmem:s24+$0xFFFFF800];
	_ =	sdelay $0x1  }
0xf4: {  	v16 =	vld [tilespmem:s24+$0xFFFFFA00]  }
0xf5: {  	v13 =	vadd.f32 v13, v14  }
0xf6: {  	v14 =	vld [tilespmem:s24+$0xFFFFFC00]  }
0xf7: {  	v13 =	vadd.f32 v15, v13  }
0xf8: {  	v15 =	vld [tilespmem:s24+$0xFFFFFE00]  }
0xf9: {  	v13 =	vadd.f32 v16, v13  }
0xfa: {  	v16 =	vld [tilespmem:s24+$0x0]  }
0xfb: {  	v13 =	vadd.f32 v14, v13  }
0xfc: {  	v14 =	vld [tilespmem:s24+$0x200]  }
0xfd: {  	v13 =	vadd.f32 v15, v13  }
0xfe: {  	v15 =	vld [tilespmem:s24+$0x400]  }
0xff: {  	v13 =	vadd.f32 v16, v13  }
0x100: {  	v16 =	vld [tilespmem:s24+$0x600]  }
0x101: {  	v13 =	vadd.f32 v14, v13  }
0x102: {  	v14 =	vld [tilespmem:s24+$0x800]  }
0x103: {  	v13 =	vadd.f32 v15, v13  }
0x104: {  	v15 =	vld [tilespmem:s24+$0xA00]  }
0x105: {  	v13 =	vadd.f32 v16, v13  }
0x106: {  	v16 =	vld [tilespmem:s24+$0xC00]  }
0x107: {  	s28 =	sand.u32 $0x1F0, s25;
	s25 =	smov.u32 s26;
	v13 =	vadd.f32 v14, v13  }
0x108: {  	v14 =	vld [tilespmem:s28+$0x4E00]  }
0x109: {  	v13 =	vadd.f32 v15, v13  }
0x10a: {  	v15 =	vld [tilespmem:s28+$0x5000]  }
0x10b: {  	v13 =	vadd.f32 v16, v13  }
0x10c: {  	v16 =	vld [tilespmem:s28+$0x5200]  }
0x10d: {  	v13 =	vadd.f32 v14, v13  }
0x10e: {  	v14 =	vld [tilespmem:s28+$0x5400]  }
0x10f: {  	v13 =	vadd.f32 v15, v13  }
0x110: {  	v15 =	vld [tilespmem:s28+$0x5600]  }
0x111: {  	v13 =	vadd.f32 v16, v13  }
0x112: {  	v16 =	vld [tilespmem:s28+$0x5800]  }
0x113: {  	v13 =	vadd.f32 v14, v13  }
0x114: {  	v14 =	vld [tilespmem:s28+$0x5A00]  }
0x115: {  	v13 =	vadd.f32 v15, v13  }
0x116: {  	v15 =	vld [tilespmem:s28+$0x5C00]  }
0x117: {  	v13 =	vadd.f32 v16, v13  }
0x118: {  	v16 =	vld [tilespmem:s28+$0x5E00]  }
0x119: {  	v13 =	vadd.f32 v14, v13  }
0x11a: {  	v14 =	vld [tilespmem:s28+$0x6000]  }
0x11b: {  	v13 =	vadd.f32 v15, v13  }
0x11c: {  	v15 =	vld [tilespmem:s28+$0x6200]  }
0x11d: {  	v13 =	vadd.f32 v16, v13  }
0x11e: {  	v16 =	vld [tilespmem:s28+$0x6400]  }
0x11f: {  	s22 =	sadd.s32 $0x10, s22;
	v13 =	vadd.f32 v14, v13;
	v14 =	vld [tilespmem:s28+$0x6600]  }
0x120: {  	v17 =	vld [tilespmem:s22+$0xFFFFF400]  }
0x121: {  	v13 =	vadd.f32 v15, v13  }
0x122: {  	v15 =	vld [tilespmem:s22+$0xFFFFF600]  }
0x123: {  	v13 =	vadd.f32 v16, v13  }
0x124: {  	v16 =	vld [tilespmem:s22+$0xFFFFF800]  }
0x125: {  	v13 =	vadd.f32 v14, v13;
	v14 =	vmul.f32 v17, v0  }
0x126: {  	v17 =	vld [tilespmem:s22+$0xFFFFFA00]  }
0x127: {  	v13 =	vadd.f32 v14, v13;
	v14 =	vmul.f32 v15, v1  }
0x128: {  	v15 =	vld [tilespmem:s22+$0xFFFFFC00]  }
0x129: {  	v13 =	vadd.f32 v14, v13;
	v14 =	vmul.f32 v16, v2  }
0x12a: {  	v16 =	vld [tilespmem:s22+$0xFFFFFE00]  }
0x12b: {  	v13 =	vadd.f32 v14, v13;
	v14 =	vmul.f32 v17, v3  }
0x12c: {  	v17 =	vld [tilespmem:s22+$0x0]  }
0x12d: {  	v13 =	vadd.f32 v14, v13;
	v14 =	vmul.f32 v15, v4  }
0x12e: {  	v15 =	vld [tilespmem:s22+$0x200]  }
0x12f: {  	v13 =	vadd.f32 v14, v13;
	v14 =	vmul.f32 v16, v5  }
0x130: {  	v16 =	vld [tilespmem:s22+$0x400]  }
0x131: {  	v13 =	vadd.f32 v14, v13;
	v14 =	vmul.f32 v17, v6  }
0x132: {  	v17 =	vld [tilespmem:s22+$0x600]  }
0x133: {  	v13 =	vadd.f32 v14, v13;
	v14 =	vmul.f32 v15, v7  }
0x134: {  	v15 =	vld [tilespmem:s22+$0x800]  }
0x135: {  	v13 =	vadd.f32 v14, v13;
	v14 =	vmul.f32 v16, v8  }
0x136: {  	v16 =	vld [tilespmem:s22+$0xA00]  }
0x137: {  	v13 =	vadd.f32 v14, v13;
	v14 =	vmul.f32 v17, v9  }
0x138: {  	v17 =	vld [tilespmem:s22+$0xC00]  }
0x139: {  	v13 =	vadd.f32 v14, v13;
	v14 =	vmul.f32 v15, v10;
	_ =	sdelay $0x1  }
0x13a: {  	v13 =	vadd.f32 v14, v13;
	v14 =	vmul.f32 v16, v11;
	_ =	sdelay $0x1  }
0x13b: {  	v13 =	vadd.f32 v14, v13;
	v14 =	vmul.f32 v17, v12;
	_ =	sdelay $0x1  }
.Ltmp1:
0x13c: {  	v13 =	vadd.f32 v14, v13;
	(pc) =	sbr.rel @p0 .LBB2_4-.Ltmp1, $4  }
0x13d: {  	s23 =	sadd.s32 $0x10, s23  }
0x13e: {  	s24 =	sadd.s32 $0x10, s24;
	[tilespmem:s23+$0x0] =	vst v13  }
0x13f: {  	v13 =	vld [tilespmem:s24+$0xFFFFF600]  }
0x140: {  	s26 =	sadd.s32 $0x10, s26;
	v14 =	vld [tilespmem:s24+$0xFFFFF400]  }
0x141: {  	_ = 	snop  }
0x142: {  	v15 =	vld [tilespmem:s24+$0xFFFFF800];
	_ =	sdelay $0x1  }
0x143: {  	v16 =	vld [tilespmem:s24+$0xFFFFFA00]  }
0x144: {  	v13 =	vadd.f32 v13, v14  }
0x145: {  	v63 =	vld [tilespmem:s24+$0xFFFFFC00]  }
0x146: {  	v13 =	vadd.f32 v15, v13  }
0x147: {  	v20 =	vld [tilespmem:s24+$0xFFFFFE00]  }
0x148: {  	v13 =	vadd.f32 v16, v13  }
0x149: {  	v21 =	vld [tilespmem:s24+$0x0]  }
0x14a: {  	v13 =	vadd.f32 v63, v13  }
0x14b: {  	v22 =	vld [tilespmem:s24+$0x200]  }
0x14c: {  	v13 =	vadd.f32 v20, v13  }
0x14d: {  	v23 =	vld [tilespmem:s24+$0x400]  }
0x14e: {  	v13 =	vadd.f32 v21, v13  }
0x14f: {  	v24 =	vld [tilespmem:s24+$0x600]  }
0x150: {  	v13 =	vadd.f32 v22, v13  }
0x151: {  	v25 =	vld [tilespmem:s24+$0x800]  }
0x152: {  	v13 =	vadd.f32 v23, v13  }
0x153: {  	v26 =	vld [tilespmem:s24+$0xA00]  }
0x154: {  	v13 =	vadd.f32 v24, v13  }
0x155: {  	v27 =	vld [tilespmem:s24+$0xC00]  }
0x156: {  	s30 =	sand.u32 $0x1F0, s25;
	v13 =	vadd.f32 v25, v13  }
0x157: {  	v28 =	vld [tilespmem:s30+$0x4E00]  }
0x158: {  	v13 =	vadd.f32 v26, v13  }
0x159: {  	v29 =	vld [tilespmem:s30+$0x5000]  }
0x15a: {  	v13 =	vadd.f32 v27, v13  }
0x15b: {  	v30 =	vld [tilespmem:s30+$0x5200]  }
0x15c: {  	v13 =	vadd.f32 v28, v13  }
0x15d: {  	v31 =	vld [tilespmem:s30+$0x5400]  }
0x15e: {  	v13 =	vadd.f32 v29, v13  }
0x15f: {  	v32 =	vld [tilespmem:s30+$0x5600]  }
0x160: {  	v13 =	vadd.f32 v30, v13  }
0x161: {  	v33 =	vld [tilespmem:s30+$0x5800]  }
0x162: {  	v13 =	vadd.f32 v31, v13  }
0x163: {  	v34 =	vld [tilespmem:s30+$0x5A00]  }
0x164: {  	v13 =	vadd.f32 v32, v13  }
0x165: {  	v35 =	vld [tilespmem:s30+$0x5C00]  }
0x166: {  	v13 =	vadd.f32 v33, v13  }
0x167: {  	v36 =	vld [tilespmem:s30+$0x5E00]  }
0x168: {  	v13 =	vadd.f32 v34, v13  }
0x169: {  	v37 =	vld [tilespmem:s30+$0x6000]  }
0x16a: {  	v13 =	vadd.f32 v35, v13  }
0x16b: {  	v38 =	vld [tilespmem:s30+$0x6200]  }
0x16c: {  	v13 =	vadd.f32 v36, v13  }
0x16d: {  	v39 =	vld [tilespmem:s30+$0x6400]  }
0x16e: {  	s22 =	sadd.s32 $0x10, s22;
	v40 =	vld [tilespmem:s30+$0x6600];
	v13 =	vadd.f32 v37, v13  }
0x16f: {  	v17 =	vld [tilespmem:s22+$0xFFFFF400]  }
0x170: {  	v13 =	vadd.f32 v38, v13  }
0x171: {  	v41 =	vld [tilespmem:s22+$0xFFFFF600]  }
0x172: {  	v13 =	vadd.f32 v39, v13  }
0x173: {  	v42 =	vld [tilespmem:s22+$0xFFFFF800]  }
0x174: {  	v0 =	vmul.f32 v17, v0;
	v13 =	vadd.f32 v40, v13  }
0x175: {  	v43 =	vld [tilespmem:s22+$0xFFFFFA00]  }
0x176: {  	v1 =	vmul.f32 v41, v1;
	v0 =	vadd.f32 v0, v13  }
0x177: {  	v44 =	vld [tilespmem:s22+$0xFFFFFC00]  }
0x178: {  	v45 =	vmul.f32 v42, v2;
	v0 =	vadd.f32 v1, v0  }
0x179: {  	v46 =	vld [tilespmem:s22+$0xFFFFFE00]  }
0x17a: {  	v47 =	vmul.f32 v43, v3;
	v0 =	vadd.f32 v45, v0  }
0x17b: {  	v48 =	vld [tilespmem:s22+$0x0]  }
0x17c: {  	v49 =	vmul.f32 v44, v4;
	v0 =	vadd.f32 v47, v0  }
0x17d: {  	v50 =	vld [tilespmem:s22+$0x200]  }
0x17e: {  	v51 =	vmul.f32 v46, v5;
	v0 =	vadd.f32 v49, v0  }
0x17f: {  	v52 =	vld [tilespmem:s22+$0x400]  }
0x180: {  	v53 =	vmul.f32 v48, v6;
	v0 =	vadd.f32 v51, v0  }
0x181: {  	v54 =	vld [tilespmem:s22+$0x600]  }
0x182: {  	v55 =	vmul.f32 v50, v7;
	v0 =	vadd.f32 v53, v0  }
0x183: {  	v56 =	vld [tilespmem:s22+$0x800]  }
0x184: {  	v57 =	vmul.f32 v52, v8;
	v0 =	vadd.f32 v55, v0  }
0x185: {  	v58 =	vld [tilespmem:s22+$0xA00]  }
0x186: {  	v59 =	vmul.f32 v54, v9;
	v0 =	vadd.f32 v57, v0  }
0x187: {  	v60 =	vld [tilespmem:s22+$0xC00]  }
0x188: {  	v61 =	vmul.f32 v56, v10;
	v0 =	vadd.f32 v59, v0;
	_ =	sdelay $0x1  }
0x189: {  	v62 =	vmul.f32 v58, v11;
	v0 =	vadd.f32 v61, v0;
	_ =	sdelay $0x1  }
0x18a: {  	v63 =	vmul.f32 v60, v12;
	v0 =	vadd.f32 v62, v0;
	_ =	sdelay $0x1  }
0x18b: {  	s21 =	sadd.s32 $0x1, s21;
	v0 =	vadd.f32 v63, v0  }
0x18c: {  	s31 =	sadd.s32 $0x10, s23;
	p0 =	sne.s32 s21, s8  }
.Ltmp2:
0x18d: {  	[tilespmem:s31+$0x0] =	vst v0;
	(pc) =	sbr.rel @p0 .LBB2_1-.Ltmp2, $4  }
0x18e: {  	[hbm4b:s7+s3] =	stream.linear.scatter [tilespmem:s20], [sflag:$0x2], $0x200, $0x38;
	[tilespmem:$0x8500] =	vst v63  }
0x18f: {  	_ =	swait.ge [sflag:s9], $0x200  }
0x190: {  	[sflag:s9] =	ssyncset.done $0x0  }
0x191: {  	[sflag:s9] =	ssyncadd.s32 $0xFFFFFE00  }
0x192: {  	_ =	sfence.sel $0x180000  }
0x193: {  	[bflag:$0x0] =	sbarrier.arrive $0xFFFF  }
0x194: {  	p0 =	sne.s32 s0, $0x0;
	_ =	strace $0x90000047  }
0x195: {  	s0 =	sadd.s32 @!p0 $0x100000, s1;
	[bflag:$0x2] =	sbarrier.arrive $0xFFFF  }
0x196: {  	[sflag:s0] =	ssyncadd.tile.s32 @!p0 $0x1;
	_ =	shalt  }
.Lfunc_end2:
_tile_overlayer_lowered:
.L_overlay_start_2:
0x197: {  	(tag) =	ssettag $0x2  }
0x198: {  	s0 =	rddreg [dreg:$0x0];
	s2 =	stileid.u32  }
0x199: {  	s1 =	rddreg [dreg:$0x1];
	p0 =	sne.s32 s2, $0x0  }
0x19a: {  	s3 =	rddreg [dreg:$0x2];
	[bflag:$0x3] =	sbarrier.arrive $0xFFFF;
	s2 =	simm.s32 @!p0 $0x1C02  }
0x19b: {  	[timem:s3], [sflag:s2] =	dma.local @!p0 [hbm:s0], s1  }
0x19c: {  	s0 =	simm.s32 @!p0 $0x2  }
0x19d: {  	_ =	swait.ge @!p0 [sflag:s0], s1  }
0x19e: {  	s1 =	ssub.s32 @!p0 $0x0, s1;
	[sflag:s0] =	ssyncset.done @!p0 $0x0  }
0x19f: {  	[sflag:s0] =	ssyncadd.s32 @!p0 s1  }
0x1a0: {  	[bflag:$0x3] =	sbarrier.arrive $0xFFFF  }
0x1a1: {  	_ =	shalt  }

</sc_bundles>
